<compile_context>
chip_gen: v7x
topology: tpu7x:2x2x1
jax: 0.10.2.dev20260603
libtpu: 0.0.44.dev20260713+nightly
codegen_flags: <defaults>
</compile_context>

<pallas_src>
import functools

import numpy as _np

import jax
import jax.numpy as jnp
from jax import lax
from jax.experimental import pallas as pl
from jax.experimental.pallas import tpu as pltpu
from jax.experimental.pallas import tpu_sc as plsc

V = 10000
E = 160000
DIM = 24
M0 = 8
NB = 5
NC = 2
NS = 16
NW = NC * NS
EPW = E // NW
CH = 125
NCH = EPW // CH
VPW = V // NS
SCCH = 1250

@functools.cache
def _sc_mesh():
    return plsc.VectorSubcoreMesh(core_axis_name="c", subcore_axis_name="s")


GCH = 128
NGCH = EPW // GCH
GREM = EPW - NGCH * GCH


def _gather_body(x_hbm, ei_hbm, out_hbm, idx_v, rows_v, sem):
    c = lax.axis_index("c")
    s = lax.axis_index("s")
    wid = c * NS + s
    pltpu.sync_copy(ei_hbm.at[0, pl.ds(wid * EPW, EPW)], idx_v)
    descs = []
    for k in range(NGCH):
        descs.append(
            pltpu.async_copy(
                x_hbm.at[idx_v.at[pl.ds(k * GCH, GCH)]],
                rows_v.at[pl.ds(k * GCH, GCH)],
                sem,
            )
        )
    descs.append(
        pltpu.async_copy(
            x_hbm.at[idx_v.at[pl.ds(NGCH * GCH, GREM)]],
            rows_v.at[pl.ds(NGCH * GCH, GREM)],
            sem,
        )
    )
    for d in descs:
        d.wait()
    pltpu.sync_copy(rows_v, out_hbm.at[pl.ds(wid * EPW, EPW)])


@jax.jit
def _gather(x, ei32):
    return pl.kernel(
        _gather_body,
        out_type=jax.ShapeDtypeStruct((E, DIM), jnp.float32),
        mesh=_sc_mesh(),
        scratch_types=[
            pltpu.VMEM((EPW,), jnp.int32),
            pltpu.VMEM((EPW, DIM), jnp.float32),
            pltpu.SemaphoreType.DMA,
        ],
        compiler_params=pltpu.CompilerParams(use_tc_tiling_on_sc=False),
    )(x, ei32)


TB = 1280


def _trig_body(a_ref, t_ref, ct_ref, st_ref, ca_ref, sa_ref, c2_ref, s2_ref):
    a = a_ref[...]
    t = t_ref[...]
    ct_ref[...] = jnp.cos(t)
    st_ref[...] = jnp.sin(t)
    ca = jnp.cos(a)
    sa = jnp.sin(a)
    ca_ref[...] = ca
    sa_ref[...] = sa
    c2_ref[...] = 2.0 * ca * ca - 1.0
    s2_ref[...] = 2.0 * sa * ca


@jax.jit
def _trig(ang, trn):
    a2 = ang.reshape(E // TB, TB)
    t2 = trn.reshape(E // TB, TB)
    outs = pl.pallas_call(
        _trig_body,
        out_shape=[jax.ShapeDtypeStruct((E // TB, TB), jnp.float32)] * 6,
    )(a2, t2)
    flat = [o.reshape(E) for o in outs]
    one = jnp.ones((E,), jnp.float32)
    return jnp.stack([one, *flat, one], axis=1)


BE = 8000


def _edge_body(xs_ref, c8_ref, a12_ref, a3_ref, w2_ref, red_ref, msg_ref):
    xs = xs_ref[...]
    c8 = c8_ref[...]
    mm = jnp.dot(c8, a12_ref[...], preferred_element_type=jnp.float32)
    cexp = jnp.dot(c8, a3_ref[...], preferred_element_type=jnp.float32)
    z = jnp.concatenate([xs, xs], axis=1) * mm
    g = jnp.dot(z, w2_ref[...], preferred_element_type=jnp.float32)
    msg_ref[...] = jnp.dot(g * cexp, red_ref[...], preferred_element_type=jnp.float32)


@jax.jit
def _edge_compute(xs, c8, a12, a3, w2, red):
    grid = E // BE
    return pl.pallas_call(
        _edge_body,
        grid=(grid,),
        in_specs=[
            pl.BlockSpec((BE, DIM), lambda i: (i, 0)),
            pl.BlockSpec((BE, 8), lambda i: (i, 0)),
            pl.BlockSpec((8, 2 * DIM), lambda i: (0, 0)),
            pl.BlockSpec((8, NB * DIM), lambda i: (0, 0)),
            pl.BlockSpec((2 * DIM, NB * DIM), lambda i: (0, 0)),
            pl.BlockSpec((NB * DIM, DIM), lambda i: (0, 0)),
        ],
        out_specs=pl.BlockSpec((BE, DIM), lambda i: (i, 0)),
        out_shape=jax.ShapeDtypeStruct((E, DIM), jnp.float32),
    )(xs, c8, a12, a3, w2, red)


SCH = 120
NSCH = EPW // SCH
SREM = EPW - NSCH * SCH
SSC = 1200
NSSC = 4


def _scatter_body(msg_hbm, ei_hbm, zeros_hbm, out_hbm, idx_v, rows_v, sem, acc_sh):
    c = lax.axis_index("c")
    s = lax.axis_index("s")
    wid = c * NS + s
    pltpu.sync_copy(zeros_hbm, acc_sh.at[pl.ds(s * VPW, VPW)])
    idescs = []
    for k in range(NSCH):
        idescs.append(
            pltpu.async_copy(
                ei_hbm.at[1, pl.ds(wid * EPW + k * SCH, SCH)],
                idx_v.at[k],
                sem,
            )
        )
    idescs.append(
        pltpu.async_copy(
            ei_hbm.at[1, pl.ds(wid * EPW + NSCH * SCH, SREM)],
            idx_v.at[NSCH, pl.ds(0, SREM)],
            sem,
        )
    )
    for d in idescs:
        d.wait()
    plsc.subcore_barrier()

    for g in range(NSSC):
        pltpu.sync_copy(msg_hbm.at[pl.ds(wid * EPW + g * SSC, SSC)], rows_v)
        descs = []
        for j in range(SSC // SCH):
            descs.append(
                pltpu.async_copy(
                    rows_v.at[pl.ds(j * SCH, SCH)],
                    acc_sh.at[idx_v.at[g * (SSC // SCH) + j]],
                    sem,
                    add=True,
                )
            )
        for d in descs:
            d.wait()
    tail = EPW - NSSC * SSC
    pltpu.sync_copy(msg_hbm.at[pl.ds(wid * EPW + NSSC * SSC, tail)],
                    rows_v.at[pl.ds(0, tail)])
    descs = [
        pltpu.async_copy(
            rows_v.at[pl.ds(0, SCH)],
            acc_sh.at[idx_v.at[NSSC * (SSC // SCH)]],
            sem,
            add=True,
        ),
        pltpu.async_copy(
            rows_v.at[pl.ds(SCH, SREM)],
            acc_sh.at[idx_v.at[NSCH, pl.ds(0, SREM)]],
            sem,
            add=True,
        ),
    ]
    for d in descs:
        d.wait()
    plsc.subcore_barrier()
    pltpu.sync_copy(
        acc_sh.at[pl.ds(s * VPW, VPW)],
        out_hbm.at[pl.ds(c * V + s * VPW, VPW)],
    )


@jax.jit
def _scatter(msg, ei32, zeros):
    return pl.kernel(
        _scatter_body,
        out_type=jax.ShapeDtypeStruct((NC * V, DIM), jnp.float32),
        mesh=_sc_mesh(),
        scratch_types=[
            pltpu.VMEM((NSCH + 1, SCH), jnp.int32),
            pltpu.VMEM((SSC, DIM), jnp.float32),
            pltpu.SemaphoreType.DMA,
            pltpu.VMEM_SHARED((V, DIM), jnp.float32),
        ],
        compiler_params=pltpu.CompilerParams(use_tc_tiling_on_sc=False),
    )(msg, ei32, zeros)


BV = 2000


def _final_body(x_ref, p0_ref, p1_ref, ks_ref, g_ref, b_ref, out_ref):
    x = x_ref[...]
    h = (
        jnp.dot(x, ks_ref[...], preferred_element_type=jnp.float32)
        + p0_ref[...]
        + p1_ref[...]
    )
    mu = jnp.mean(h, axis=1, keepdims=True)
    d = h - mu
    var = jnp.mean(d * d, axis=1, keepdims=True)
    hn = d * lax.rsqrt(var + 1e-5) * g_ref[...] + b_ref[...]
    lane = lax.broadcasted_iota(jnp.int32, (1, DIM), 1)
    is_scal = lane < M0
    is_x = jnp.logical_and(lane >= M0, lane % 2 == 0)
    n2 = hn * hn
    psum = n2 + jnp.where(is_x, jnp.roll(n2, -1, axis=1), jnp.roll(n2, 1, axis=1))
    norm = jnp.maximum(jnp.sqrt(psum), 1e-8)
    scale = jax.nn.softplus(norm) / norm
    out_ref[...] = jnp.where(is_scal, jnp.maximum(hn, 0.0), hn * scale) + x


@jax.jit
def _final(x, p0, p1, ks_t, gamma, beta):
    grid = V // BV
    return pl.pallas_call(
        _final_body,
        grid=(grid,),
        in_specs=[
            pl.BlockSpec((BV, DIM), lambda i: (i, 0)),
            pl.BlockSpec((BV, DIM), lambda i: (i, 0)),
            pl.BlockSpec((BV, DIM), lambda i: (i, 0)),
            pl.BlockSpec((DIM, DIM), lambda i: (0, 0)),
            pl.BlockSpec((1, DIM), lambda i: (0, 0)),
            pl.BlockSpec((1, DIM), lambda i: (0, 0)),
        ],
        out_specs=pl.BlockSpec((BV, DIM), lambda i: (i, 0)),
        out_shape=jax.ShapeDtypeStruct((V, DIM), jnp.float32),
    )(x, p0, p1, ks_t, gamma, beta)


def kernel(x, edge_index, angles, transporters, K_self, K_neigh_w, ln_gamma, ln_beta):
    ei32 = edge_index.astype(jnp.int32)
    xs = _gather(x, ei32)
    wt = jnp.transpose(K_neigh_w, (2, 0, 1)).reshape(DIM, NB * DIM)
    perm = _np.arange(DIM)
    perm[M0:] = perm[M0:].reshape(-1, 2)[:, ::-1].ravel()
    w2 = jnp.concatenate([wt, wt[perm]], axis=0)
    red = jnp.tile(jnp.eye(DIM, dtype=jnp.float32), (NB, 1))
    a12 = _np.zeros((8, 2 * DIM), dtype=_np.float32)
    a12[0, :M0] = 1.0
    a12[1, M0:DIM] = 1.0
    for m in range(M0, DIM, 2):
        a12[2, DIM + m] = 1.0
        a12[2, DIM + m + 1] = -1.0
    a3 = _np.zeros((8, NB * DIM), dtype=_np.float32)
    for b, row in enumerate((0, 3, 4, 5, 6)):
        a3[row, b * DIM:(b + 1) * DIM] = 1.0
    c8 = _trig(angles, transporters)
    msg = _edge_compute(xs, c8, jnp.asarray(a12), jnp.asarray(a3), w2, red)
    zeros = jnp.zeros((VPW, DIM), jnp.float32)
    partial = _scatter(msg, ei32, zeros)
    return _final(
        x,
        partial[:V],
        partial[V:],
        K_self.T,
        ln_gamma.reshape(1, DIM),
        ln_beta.reshape(1, DIM),
    )

# --- scband reference (transcript-rebuilt; emitter-appended) ---
"""Pipeline reference for scband-gemblock-62689342652488 (READ-ONLY COPY).

The authoritative reference and input builder live on the scoring server;
editing this copy changes nothing except your own understanding.
"""

import jax, jax.numpy as jnp
import numpy as np

V = 10000
E = 160000
DIM = 24  # ftype [(0,8),(1,8)] -> 8*1 + 8*2
MULT0 = 8
MULT1 = 8
NBASIS = 5  # angular Fourier basis: 1, cos t, sin t, cos 2t, sin 2t


def _transport(f, t):
    # apply_parallel_transport for ftype [(0,8),(1,8)]
    scal = f[:, :MULT0]
    vec = f[:, MULT0:].reshape(-1, MULT1, 2)
    c = jnp.cos(t)[:, None]
    s = jnp.sin(t)[:, None]
    vx = vec[..., 0]
    vy = vec[..., 1]
    # rotated[e,m,r] = sum_d block[e,m,d] * R[e,r,d], R = [[c,-s],[s,c]]
    rot = jnp.stack([vx * c - vy * s, vx * s + vy * c], axis=-1)
    return jnp.concatenate([scal, rot.reshape(-1, MULT1 * 2)], axis=1)


def _forward(x, edge_index, angles, transporters, K_self, K_neigh_w, ln_gamma, ln_beta):
    src = edge_index[0]
    tgt = edge_index[1]
    # self-interaction: out = x @ K_self.T
    out = x @ K_self.T
    # gather neighbour features and parallel-transport them
    f_t = _transport(jnp.take(x, src, axis=0), transporters)
    # K_neigh(theta) = sum_b basis_b(theta) * K_neigh_w[b]; msg = bmm(K_neigh, f_t)
    basis = jnp.stack([jnp.ones_like(angles), jnp.cos(angles), jnp.sin(angles), jnp.cos(2.0 * angles), jnp.sin(2.0 * angles)], axis=1)
    proj = jnp.einsum('ei,boi->ebo', f_t, K_neigh_w)
    msg = jnp.einsum('eb,ebo->eo', basis, proj)
    # scatter_add over target vertices
    h = out + jax.ops.segment_sum(msg, tgt, num_segments=x.shape[0])
    # LayerNorm
    mu = jnp.mean(h, axis=-1, keepdims=True)
    var = jnp.var(h, axis=-1, keepdims=True)
    h = (h - mu) / jnp.sqrt(var + 1e-5) * ln_gamma + ln_beta
    # RegularNonlinearity: ReLU on scalar block, norm-softplus on vector block
    scal = jax.nn.relu(h[:, :MULT0])
    vec = h[:, MULT0:].reshape(-1, MULT1, 2)
    norms = jnp.clip(jnp.linalg.norm(vec, axis=-1, keepdims=True), 1e-8, None)
    vec = vec * (jax.nn.softplus(norms) / norms)
    h = jnp.concatenate([scal, vec.reshape(-1, MULT1 * 2)], axis=1)
    # residual skip (Identity since dim_in == dim_out)
    return h + x


def setup_inputs(seed: int = 0) -> dict:
    key = jax.random.key(seed)
    ks = jax.random.split(key, 8)
    x = jax.random.normal(ks[0], (V, DIM), dtype=jnp.float32)
    edge_index = jax.random.randint(ks[1], (2, E), 0, V)
    angles = jax.random.uniform(ks[2], (E,), dtype=jnp.float32)
    transporters = jax.random.uniform(ks[3], (E,), dtype=jnp.float32)
    K_self = jax.random.normal(ks[4], (DIM, DIM), dtype=jnp.float32) * 0.1
    K_neigh_w = jax.random.normal(ks[5], (NBASIS, DIM, DIM), dtype=jnp.float32) * 0.1
    ln_gamma = jnp.ones((DIM,), dtype=jnp.float32)
    ln_beta = jnp.zeros((DIM,), dtype=jnp.float32)
    return {"x": x, "edge_index": edge_index, "angles": angles, "transporters": transporters, "K_self": K_self, "K_neigh_w": K_neigh_w, "ln_gamma": ln_gamma, "ln_beta": ln_beta}


def reference(x, edge_index, angles, transporters, K_self, K_neigh_w, ln_gamma, ln_beta):
    return _forward(x, edge_index, angles, transporters, K_self, K_neigh_w, ln_gamma, ln_beta)

if __name__ == "__main__":
    import jax
    _d = setup_inputs()
    print(jax.jit(kernel)(*tuple(_d.values())))

</pallas_src>

<mosaic_0001>
#map = affine_map<(d0, d1) -> (0, 0)>
module attributes {stable_mosaic.version = 14 : i64} {
  func.func @_gather_body(%arg0: i32, %arg1: i32, %arg2: memref<10000x24xf32, #tpu.memory_space<hbm>>, %arg3: memref<2x160000xi32, #tpu.memory_space<hbm>>, %arg4: memref<160000x24xf32, #tpu.memory_space<hbm>>, %arg5: memref<5000xi32, #tpu.memory_space<vmem>>, %arg6: memref<5000x24xf32, #tpu.memory_space<vmem>>, %arg7: memref<!tpu.dma_semaphore, #tpu.memory_space<semaphore_mem>>) attributes {dimension_semantics = [#tpu.dimension_semantics<core_parallel>, #tpu.dimension_semantics<subcore_parallel>], iteration_bounds = array<i64: 2, 16>, scalar_prefetch = 0 : i64, scratch_operands = 3 : i64, tpu.core_type = #tpu.core_type<sc_vector_subcore>, window_params = [{transform_indices = #map}, {transform_indices = #map}, {transform_indices = #map}]} {
    %mul3A = arith.constant 16 : i32
    %mul3A_0 = arith.muli %arg0, %mul3A : i32
    %add3A = arith.addi %mul3A_0, %arg1 : i32
    %mul3A_1 = arith.constant 5000 : i32
    %mul3A_2 = arith.muli %add3A, %mul3A_1 : i32
    %run_scoped3A = arith.constant 0 : i32
    "tpu.region"() ({
      %run_scoped3A_643 = tpu.sem_alloc : memref<!tpu.dma_semaphore, #tpu.memory_space<semaphore_mem>>
      %dma_start3A_644 = tpu.memref_slice %arg3[%run_scoped3A, %mul3A_2] : memref<2x160000xi32, #tpu.memory_space<hbm>> -> memref<1x5000xi32, #tpu.memory_space<hbm>>
      %dma_start3A_645 = tpu.memref_squeeze %dma_start3A_644 : memref<1x5000xi32, #tpu.memory_space<hbm>> -> memref<5000xi32, #tpu.memory_space<hbm>>
      %dma_start3A_646 = tpu.memref_slice %arg3[%run_scoped3A, %mul3A_2] : memref<2x160000xi32, #tpu.memory_space<hbm>> -> memref<1x5000xi32, #tpu.memory_space<hbm>>
      %dma_start3A_647 = tpu.memref_squeeze %dma_start3A_646 : memref<1x5000xi32, #tpu.memory_space<hbm>> -> memref<5000xi32, #tpu.memory_space<hbm>>
      tpu.enqueue_dma source(%dma_start3A_647 : memref<5000xi32, #tpu.memory_space<hbm>>) target(%arg5 : memref<5000xi32, #tpu.memory_space<vmem>>) target_semaphore(%run_scoped3A_643 : memref<!tpu.dma_semaphore, #tpu.memory_space<semaphore_mem>>)
      %dma_wait3A_648 = tpu.memref_slice %arg3[%run_scoped3A, %mul3A_2] : memref<2x160000xi32, #tpu.memory_space<hbm>> -> memref<1x5000xi32, #tpu.memory_space<hbm>>
      %dma_wait3A_649 = tpu.memref_squeeze %dma_wait3A_648 : memref<1x5000xi32, #tpu.memory_space<hbm>> -> memref<5000xi32, #tpu.memory_space<hbm>>
      %dma_wait3A_650 = tpu.memref_slice %arg3[%run_scoped3A, %mul3A_2] : memref<2x160000xi32, #tpu.memory_space<hbm>> -> memref<1x5000xi32, #tpu.memory_space<hbm>>
      %dma_wait3A_651 = tpu.memref_squeeze %dma_wait3A_650 : memref<1x5000xi32, #tpu.memory_space<hbm>> -> memref<5000xi32, #tpu.memory_space<hbm>>
      tpu.wait_dma2 semaphore(%run_scoped3A_643 : memref<!tpu.dma_semaphore, #tpu.memory_space<semaphore_mem>>) src(%dma_wait3A_651 : memref<5000xi32, #tpu.memory_space<hbm>>) dst(%arg5 : memref<5000xi32, #tpu.memory_space<vmem>>)
      tpu.yield
    }) : () -> ()
    %dma_start3A = arith.constant 0 : i32
    %dma_start3A_3 = arith.constant 0 : i32
    %dma_start3A_4 = tpu.memref_slice %arg6[%dma_start3A, %dma_start3A_3] : memref<5000x24xf32, #tpu.memory_space<vmem>> -> memref<128x24xf32, #tpu.memory_space<vmem>>
    %dma_start3A_5 = arith.constant 0 : i32
    %dma_start3A_6 = tpu.memref_slice %arg5[%dma_start3A_5] : memref<5000xi32, #tpu.memory_space<vmem>> -> memref<128xi32, #tpu.memory_space<vmem>>
    %dma_start3A_7 = arith.constant 0 : i32
    %dma_start3A_8 = arith.constant 0 : i32
    %dma_start3A_9 = tpu.memref_slice %arg2[%dma_start3A_7, %dma_start3A_8] : memref<10000x24xf32, #tpu.memory_space<hbm>> -> memref<10000x24xf32, #tpu.memory_space<hbm>>
    tpu.enqueue_indirect_dma source(%dma_start3A_9 : memref<10000x24xf32, #tpu.memory_space<hbm>>) target(%dma_start3A_4 : memref<128x24xf32, #tpu.memory_space<vmem>>) offsets(%dma_start3A_6 : memref<128xi32, #tpu.memory_space<vmem>>) semaphore(%arg7 : memref<!tpu.dma_semaphore, #tpu.memory_space<semaphore_mem>>)
    %dma_start3A_10 = arith.constant 128 : i32
    %dma_start3A_11 = arith.constant 0 : i32
    %dma_start3A_12 = tpu.memref_slice %arg6[%dma_start3A_10, %dma_start3A_11] : memref<5000x24xf32, #tpu.memory_space<vmem>> -> memref<128x24xf32, #tpu.memory_space<vmem>>
    %dma_start3A_13 = arith.constant 128 : i32
    %dma_start3A_14 = tpu.memref_slice %arg5[%dma_start3A_13] : memref<5000xi32, #tpu.memory_space<vmem>> -> memref<128xi32, #tpu.memory_space<vmem>>
    %dma_start3A_15 = arith.constant 0 : i32
    %dma_start3A_16 = arith.constant 0 : i32
    %dma_start3A_17 = tpu.memref_slice %arg2[%dma_start3A_15, %dma_start3A_16] : memref<10000x24xf32, #tpu.memory_space<hbm>> -> memref<10000x24xf32, #tpu.memory_space<hbm>>
    tpu.enqueue_indirect_dma source(%dma_start3A_17 : memref<10000x24xf32, #tpu.memory_space<hbm>>) target(%dma_start3A_12 : memref<128x24xf32, #tpu.memory_space<vmem>>) offsets(%dma_start3A_14 : memref<128xi32, #tpu.memory_space<vmem>>) semaphore(%arg7 : memref<!tpu.dma_semaphore, #tpu.memory_space<semaphore_mem>>)
    %dma_start3A_18 = arith.constant 256 : i32
    %dma_start3A_19 = arith.constant 0 : i32
    %dma_start3A_20 = tpu.memref_slice %arg6[%dma_start3A_18, %dma_start3A_19] : memref<5000x24xf32, #tpu.memory_space<vmem>> -> memref<128x24xf32, #tpu.memory_space<vmem>>
    %dma_start3A_21 = arith.constant 256 : i32
    %dma_start3A_22 = tpu.memref_slice %arg5[%dma_start3A_21] : memref<5000xi32, #tpu.memory_space<vmem>> -> memref<128xi32, #tpu.memory_space<vmem>>
    %dma_start3A_23 = arith.constant 0 : i32
    %dma_start3A_24 = arith.constant 0 : i32
    %dma_start3A_25 = tpu.memref_slice %arg2[%dma_start3A_23, %dma_start3A_24] : memref<10000x24xf32, #tpu.memory_space<hbm>> -> memref<10000x24xf32, #tpu.memory_space<hbm>>
    tpu.enqueue_indirect_dma source(%dma_start3A_25 : memref<10000x24xf32, #tpu.memory_space<hbm>>) target(%dma_start3A_20 : memref<128x24xf32, #tpu.memory_space<vmem>>) offsets(%dma_start3A_22 : memref<128xi32, #tpu.memory_space<vmem>>) semaphore(%arg7 : memref<!tpu.dma_semaphore, #tpu.memory_space<semaphore_mem>>)
    %dma_start3A_26 = arith.constant 384 : i32
    %dma_start3A_27 = arith.constant 0 : i32
    %dma_start3A_28 = tpu.memref_slice %arg6[%dma_start3A_26, %dma_start3A_27] : memref<5000x24xf32, #tpu.memory_space<vmem>> -> memref<128x24xf32, #tpu.memory_space<vmem>>
    %dma_start3A_29 = arith.constant 384 : i32
    %dma_start3A_30 = tpu.memref_slice %arg5[%dma_start3A_29] : memref<5000xi32, #tpu.memory_space<vmem>> -> memref<128xi32, #tpu.memory_space<vmem>>
    %dma_start3A_31 = arith.constant 0 : i32
    %dma_start3A_32 = arith.constant 0 : i32
    %dma_start3A_33 = tpu.memref_slice %arg2[%dma_start3A_31, %dma_start3A_32] : memref<10000x24xf32, #tpu.memory_space<hbm>> -> memref<10000x24xf32, #tpu.memory_space<hbm>>
    tpu.enqueue_indirect_dma source(%dma_start3A_33 : memref<10000x24xf32, #tpu.memory_space<hbm>>) target(%dma_start3A_28 : memref<128x24xf32, #tpu.memory_space<vmem>>) offsets(%dma_start3A_30 : memref<128xi32, #tpu.memory_space<vmem>>) semaphore(%arg7 : memref<!tpu.dma_semaphore, #tpu.memory_space<semaphore_mem>>)
    %dma_start3A_34 = arith.constant 512 : i32
    %dma_start3A_35 = arith.constant 0 : i32
    %dma_start3A_36 = tpu.memref_slice %arg6[%dma_start3A_34, %dma_start3A_35] : memref<5000x24xf32, #tpu.memory_space<vmem>> -> memref<128x24xf32, #tpu.memory_space<vmem>>
    %dma_start3A_37 = arith.constant 512 : i32
    %dma_start3A_38 = tpu.memref_slice %arg5[%dma_start3A_37] : memref<5000xi32, #tpu.memory_space<vmem>> -> memref<128xi32, #tpu.memory_space<vmem>>
    %dma_start3A_39 = arith.constant 0 : i32
    %dma_start3A_40 = arith.constant 0 : i32
    %dma_start3A_41 = tpu.memref_slice %arg2[%dma_start3A_39, %dma_start3A_40] : memref<10000x24xf32, #tpu.memory_space<hbm>> -> memref<10000x24xf32, #tpu.memory_space<hbm>>
    tpu.enqueue_indirect_dma source(%dma_start3A_41 : memref<10000x24xf32, #tpu.memory_space<hbm>>) target(%dma_start3A_36 : memref<128x24xf32, #tpu.memory_space<vmem>>) offsets(%dma_start3A_38 : memref<128xi32, #tpu.memory_space<vmem>>) semaphore(%arg7 : memref<!tpu.dma_semaphore, #tpu.memory_space<semaphore_mem>>)
    %dma_start3A_42 = arith.constant 640 : i32
    %dma_start3A_43 = arith.constant 0 : i32
    %dma_start3A_44 = tpu.memref_slice %arg6[%dma_start3A_42, %dma_start3A_43] : memref<5000x24xf32, #tpu.memory_space<vmem>> -> memref<128x24xf32, #tpu.memory_space<vmem>>
    %dma_start3A_45 = arith.constant 640 : i32
    %dma_start3A_46 = tpu.memref_slice %arg5[%dma_start3A_45] : memref<5000xi32, #tpu.memory_space<vmem>> -> memref<128xi32, #tpu.memory_space<vmem>>
    %dma_start3A_47 = arith.constant 0 : i32
    %dma_start3A_48 = arith.constant 0 : i32
    %dma_start3A_49 = tpu.memref_slice %arg2[%dma_start3A_47, %dma_start3A_48] : memref<10000x24xf32, #tpu.memory_space<hbm>> -> memref<10000x24xf32, #tpu.memory_space<hbm>>
    tpu.enqueue_indirect_dma source(%dma_start3A_49 : memref<10000x24xf32, #tpu.memory_space<hbm>>) target(%dma_start3A_44 : memref<128x24xf32, #tpu.memory_space<vmem>>) offsets(%dma_start3A_46 : memref<128xi32, #tpu.memory_space<vmem>>) semaphore(%arg7 : memref<!tpu.dma_semaphore, #tpu.memory_space<semaphore_mem>>)
    %dma_start3A_50 = arith.constant 768 : i32
    %dma_start3A_51 = arith.constant 0 : i32
    %dma_start3A_52 = tpu.memref_slice %arg6[%dma_start3A_50, %dma_start3A_51] : memref<5000x24xf32, #tpu.memory_space<vmem>> -> memref<128x24xf32, #tpu.memory_space<vmem>>
    %dma_start3A_53 = arith.constant 768 : i32
    %dma_start3A_54 = tpu.memref_slice %arg5[%dma_start3A_53] : memref<5000xi32, #tpu.memory_space<vmem>> -> memref<128xi32, #tpu.memory_space<vmem>>
    %dma_start3A_55 = arith.constant 0 : i32
    %dma_start3A_56 = arith.constant 0 : i32
    %dma_start3A_57 = tpu.memref_slice %arg2[%dma_start3A_55, %dma_start3A_56] : memref<10000x24xf32, #tpu.memory_space<hbm>> -> memref<10000x24xf32, #tpu.memory_space<hbm>>
    tpu.enqueue_indirect_dma source(%dma_start3A_57 : memref<10000x24xf32, #tpu.memory_space<hbm>>) target(%dma_start3A_52 : memref<128x24xf32, #tpu.memory_space<vmem>>) offsets(%dma_start3A_54 : memref<128xi32, #tpu.memory_space<vmem>>) semaphore(%arg7 : memref<!tpu.dma_semaphore, #tpu.memory_space<semaphore_mem>>)
    %dma_start3A_58 = arith.constant 896 : i32
    %dma_start3A_59 = arith.constant 0 : i32
    %dma_start3A_60 = tpu.memref_slice %arg6[%dma_start3A_58, %dma_start3A_59] : memref<5000x24xf32, #tpu.memory_space<vmem>> -> memref<128x24xf32, #tpu.memory_space<vmem>>
    %dma_start3A_61 = arith.constant 896 : i32
    %dma_start3A_62 = tpu.memref_slice %arg5[%dma_start3A_61] : memref<5000xi32, #tpu.memory_space<vmem>> -> memref<128xi32, #tpu.memory_space<vmem>>
    %dma_start3A_63 = arith.constant 0 : i32
    %dma_start3A_64 = arith.constant 0 : i32
    %dma_start3A_65 = tpu.memref_slice %arg2[%dma_start3A_63, %dma_start3A_64] : memref<10000x24xf32, #tpu.memory_space<hbm>> -> memref<10000x24xf32, #tpu.memory_space<hbm>>
    tpu.enqueue_indirect_dma source(%dma_start3A_65 : memref<10000x24xf32, #tpu.memory_space<hbm>>) target(%dma_start3A_60 : memref<128x24xf32, #tpu.memory_space<vmem>>) offsets(%dma_start3A_62 : memref<128xi32, #tpu.memory_space<vmem>>) semaphore(%arg7 : memref<!tpu.dma_semaphore, #tpu.memory_space<semaphore_mem>>)
    %dma_start3A_66 = arith.constant 1024 : i32
    %dma_start3A_67 = arith.constant 0 : i32
    %dma_start3A_68 = tpu.memref_slice %arg6[%dma_start3A_66, %dma_start3A_67] : memref<5000x24xf32, #tpu.memory_space<vmem>> -> memref<128x24xf32, #tpu.memory_space<vmem>>
    %dma_start3A_69 = arith.constant 1024 : i32
    %dma_start3A_70 = tpu.memref_slice %arg5[%dma_start3A_69] : memref<5000xi32, #tpu.memory_space<vmem>> -> memref<128xi32, #tpu.memory_space<vmem>>
    %dma_start3A_71 = arith.constant 0 : i32
    %dma_start3A_72 = arith.constant 0 : i32
    %dma_start3A_73 = tpu.memref_slice %arg2[%dma_start3A_71, %dma_start3A_72] : memref<10000x24xf32, #tpu.memory_space<hbm>> -> memref<10000x24xf32, #tpu.memory_space<hbm>>
    tpu.enqueue_indirect_dma source(%dma_start3A_73 : memref<10000x24xf32, #tpu.memory_space<hbm>>) target(%dma_start3A_68 : memref<128x24xf32, #tpu.memory_space<vmem>>) offsets(%dma_start3A_70 : memref<128xi32, #tpu.memory_space<vmem>>) semaphore(%arg7 : memref<!tpu.dma_semaphore, #tpu.memory_space<semaphore_mem>>)
    %dma_start3A_74 = arith.constant 1152 : i32
    %dma_start3A_75 = arith.constant 0 : i32
    %dma_start3A_76 = tpu.memref_slice %arg6[%dma_start3A_74, %dma_start3A_75] : memref<5000x24xf32, #tpu.memory_space<vmem>> -> memref<128x24xf32, #tpu.memory_space<vmem>>
    %dma_start3A_77 = arith.constant 1152 : i32
    %dma_start3A_78 = tpu.memref_slice %arg5[%dma_start3A_77] : memref<5000xi32, #tpu.memory_space<vmem>> -> memref<128xi32, #tpu.memory_space<vmem>>
    %dma_start3A_79 = arith.constant 0 : i32
    %dma_start3A_80 = arith.constant 0 : i32
    %dma_start3A_81 = tpu.memref_slice %arg2[%dma_start3A_79, %dma_start3A_80] : memref<10000x24xf32, #tpu.memory_space<hbm>> -> memref<10000x24xf32, #tpu.memory_space<hbm>>
    tpu.enqueue_indirect_dma source(%dma_start3A_81 : memref<10000x24xf32, #tpu.memory_space<hbm>>) target(%dma_start3A_76 : memref<128x24xf32, #tpu.memory_space<vmem>>) offsets(%dma_start3A_78 : memref<128xi32, #tpu.memory_space<vmem>>) semaphore(%arg7 : memref<!tpu.dma_semaphore, #tpu.memory_space<semaphore_mem>>)
    %dma_start3A_82 = arith.constant 1280 : i32
    %dma_start3A_83 = arith.constant 0 : i32
    %dma_start3A_84 = tpu.memref_slice %arg6[%dma_start3A_82, %dma_start3A_83] : memref<5000x24xf32, #tpu.memory_space<vmem>> -> memref<128x24xf32, #tpu.memory_space<vmem>>
    %dma_start3A_85 = arith.constant 1280 : i32
    %dma_start3A_86 = tpu.memref_slice %arg5[%dma_start3A_85] : memref<5000xi32, #tpu.memory_space<vmem>> -> memref<128xi32, #tpu.memory_space<vmem>>
    %dma_start3A_87 = arith.constant 0 : i32
    %dma_start3A_88 = arith.constant 0 : i32
    %dma_start3A_89 = tpu.memref_slice %arg2[%dma_start3A_87, %dma_start3A_88] : memref<10000x24xf32, #tpu.memory_space<hbm>> -> memref<10000x24xf32, #tpu.memory_space<hbm>>
    tpu.enqueue_indirect_dma source(%dma_start3A_89 : memref<10000x24xf32, #tpu.memory_space<hbm>>) target(%dma_start3A_84 : memref<128x24xf32, #tpu.memory_space<vmem>>) offsets(%dma_start3A_86 : memref<128xi32, #tpu.memory_space<vmem>>) semaphore(%arg7 : memref<!tpu.dma_semaphore, #tpu.memory_space<semaphore_mem>>)
    %dma_start3A_90 = arith.constant 1408 : i32
    %dma_start3A_91 = arith.constant 0 : i32
    %dma_start3A_92 = tpu.memref_slice %arg6[%dma_start3A_90, %dma_start3A_91] : memref<5000x24xf32, #tpu.memory_space<vmem>> -> memref<128x24xf32, #tpu.memory_space<vmem>>
    %dma_start3A_93 = arith.constant 1408 : i32
    %dma_start3A_94 = tpu.memref_slice %arg5[%dma_start3A_93] : memref<5000xi32, #tpu.memory_space<vmem>> -> memref<128xi32, #tpu.memory_space<vmem>>
    %dma_start3A_95 = arith.constant 0 : i32
    %dma_start3A_96 = arith.constant 0 : i32
    %dma_start3A_97 = tpu.memref_slice %arg2[%dma_start3A_95, %dma_start3A_96] : memref<10000x24xf32, #tpu.memory_space<hbm>> -> memref<10000x24xf32, #tpu.memory_space<hbm>>
    tpu.enqueue_indirect_dma source(%dma_start3A_97 : memref<10000x24xf32, #tpu.memory_space<hbm>>) target(%dma_start3A_92 : memref<128x24xf32, #tpu.memory_space<vmem>>) offsets(%dma_start3A_94 : memref<128xi32, #tpu.memory_space<vmem>>) semaphore(%arg7 : memref<!tpu.dma_semaphore, #tpu.memory_space<semaphore_mem>>)
    %dma_start3A_98 = arith.constant 1536 : i32
    %dma_start3A_99 = arith.constant 0 : i32
    %dma_start3A_100 = tpu.memref_slice %arg6[%dma_start3A_98, %dma_start3A_99] : memref<5000x24xf32, #tpu.memory_space<vmem>> -> memref<128x24xf32, #tpu.memory_space<vmem>>
    %dma_start3A_101 = arith.constant 1536 : i32
    %dma_start3A_102 = tpu.memref_slice %arg5[%dma_start3A_101] : memref<5000xi32, #tpu.memory_space<vmem>> -> memref<128xi32, #tpu.memory_space<vmem>>
    %dma_start3A_103 = arith.constant 0 : i32
    %dma_start3A_104 = arith.constant 0 : i32
    %dma_start3A_105 = tpu.memref_slice %arg2[%dma_start3A_103, %dma_start3A_104] : memref<10000x24xf32, #tpu.memory_space<hbm>> -> memref<10000x24xf32, #tpu.memory_space<hbm>>
    tpu.enqueue_indirect_dma source(%dma_start3A_105 : memref<10000x24xf32, #tpu.memory_space<hbm>>) target(%dma_start3A_100 : memref<128x24xf32, #tpu.memory_space<vmem>>) offsets(%dma_start3A_102 : memref<128xi32, #tpu.memory_space<vmem>>) semaphore(%arg7 : memref<!tpu.dma_semaphore, #tpu.memory_space<semaphore_mem>>)
    %dma_start3A_106 = arith.constant 1664 : i32
    %dma_start3A_107 = arith.constant 0 : i32
    %dma_start3A_108 = tpu.memref_slice %arg6[%dma_start3A_106, %dma_start3A_107] : memref<5000x24xf32, #tpu.memory_space<vmem>> -> memref<128x24xf32, #tpu.memory_space<vmem>>
    %dma_start3A_109 = arith.constant 1664 : i32
    %dma_start3A_110 = tpu.memref_slice %arg5[%dma_start3A_109] : memref<5000xi32, #tpu.memory_space<vmem>> -> memref<128xi32, #tpu.memory_space<vmem>>
    %dma_start3A_111 = arith.constant 0 : i32
    %dma_start3A_112 = arith.constant 0 : i32
    %dma_start3A_113 = tpu.memref_slice %arg2[%dma_start3A_111, %dma_start3A_112] : memref<10000x24xf32, #tpu.memory_space<hbm>> -> memref<10000x24xf32, #tpu.memory_space<hbm>>
    tpu.enqueue_indirect_dma source(%dma_start3A_113 : memref<10000x24xf32, #tpu.memory_space<hbm>>) target(%dma_start3A_108 : memref<128x24xf32, #tpu.memory_space<vmem>>) offsets(%dma_start3A_110 : memref<128xi32, #tpu.memory_space<vmem>>) semaphore(%arg7 : memref<!tpu.dma_semaphore, #tpu.memory_space<semaphore_mem>>)
    %dma_start3A_114 = arith.constant 1792 : i32
    %dma_start3A_115 = arith.constant 0 : i32
    %dma_start3A_116 = tpu.memref_slice %arg6[%dma_start3A_114, %dma_start3A_115] : memref<5000x24xf32, #tpu.memory_space<vmem>> -> memref<128x24xf32, #tpu.memory_space<vmem>>
    %dma_start3A_117 = arith.constant 1792 : i32
    %dma_start3A_118 = tpu.memref_slice %arg5[%dma_start3A_117] : memref<5000xi32, #tpu.memory_space<vmem>> -> memref<128xi32, #tpu.memory_space<vmem>>
    %dma_start3A_119 = arith.constant 0 : i32
    %dma_start3A_120 = arith.constant 0 : i32
    %dma_start3A_121 = tpu.memref_slice %arg2[%dma_start3A_119, %dma_start3A_120] : memref<10000x24xf32, #tpu.memory_space<hbm>> -> memref<10000x24xf32, #tpu.memory_space<hbm>>
    tpu.enqueue_indirect_dma source(%dma_start3A_121 : memref<10000x24xf32, #tpu.memory_space<hbm>>) target(%dma_start3A_116 : memref<128x24xf32, #tpu.memory_space<vmem>>) offsets(%dma_start3A_118 : memref<128xi32, #tpu.memory_space<vmem>>) semaphore(%arg7 : memref<!tpu.dma_semaphore, #tpu.memory_space<semaphore_mem>>)
    %dma_start3A_122 = arith.constant 1920 : i32
    %dma_start3A_123 = arith.constant 0 : i32
    %dma_start3A_124 = tpu.memref_slice %arg6[%dma_start3A_122, %dma_start3A_123] : memref<5000x24xf32, #tpu.memory_space<vmem>> -> memref<128x24xf32, #tpu.memory_space<vmem>>
    %dma_start3A_125 = arith.constant 1920 : i32
    %dma_start3A_126 = tpu.memref_slice %arg5[%dma_start3A_125] : memref<5000xi32, #tpu.memory_space<vmem>> -> memref<128xi32, #tpu.memory_space<vmem>>
    %dma_start3A_127 = arith.constant 0 : i32
    %dma_start3A_128 = arith.constant 0 : i32
    %dma_start3A_129 = tpu.memref_slice %arg2[%dma_start3A_127, %dma_start3A_128] : memref<10000x24xf32, #tpu.memory_space<hbm>> -> memref<10000x24xf32, #tpu.memory_space<hbm>>
    tpu.enqueue_indirect_dma source(%dma_start3A_129 : memref<10000x24xf32, #tpu.memory_space<hbm>>) target(%dma_start3A_124 : memref<128x24xf32, #tpu.memory_space<vmem>>) offsets(%dma_start3A_126 : memref<128xi32, #tpu.memory_space<vmem>>) semaphore(%arg7 : memref<!tpu.dma_semaphore, #tpu.memory_space<semaphore_mem>>)
    %dma_start3A_130 = arith.constant 2048 : i32
    %dma_start3A_131 = arith.constant 0 : i32
    %dma_start3A_132 = tpu.memref_slice %arg6[%dma_start3A_130, %dma_start3A_131] : memref<5000x24xf32, #tpu.memory_space<vmem>> -> memref<128x24xf32, #tpu.memory_space<vmem>>
    %dma_start3A_133 = arith.constant 2048 : i32
    %dma_start3A_134 = tpu.memref_slice %arg5[%dma_start3A_133] : memref<5000xi32, #tpu.memory_space<vmem>> -> memref<128xi32, #tpu.memory_space<vmem>>
    %dma_start3A_135 = arith.constant 0 : i32
    %dma_start3A_136 = arith.constant 0 : i32
    %dma_start3A_137 = tpu.memref_slice %arg2[%dma_start3A_135, %dma_start3A_136] : memref<10000x24xf32, #tpu.memory_space<hbm>> -> memref<10000x24xf32, #tpu.memory_space<hbm>>
    tpu.enqueue_indirect_dma source(%dma_start3A_137 : memref<10000x24xf32, #tpu.memory_space<hbm>>) target(%dma_start3A_132 : memref<128x24xf32, #tpu.memory_space<vmem>>) offsets(%dma_start3A_134 : memref<128xi32, #tpu.memory_space<vmem>>) semaphore(%arg7 : memref<!tpu.dma_semaphore, #tpu.memory_space<semaphore_mem>>)
    %dma_start3A_138 = arith.constant 2176 : i32
    %dma_start3A_139 = arith.constant 0 : i32
    %dma_start3A_140 = tpu.memref_slice %arg6[%dma_start3A_138, %dma_start3A_139] : memref<5000x24xf32, #tpu.memory_space<vmem>> -> memref<128x24xf32, #tpu.memory_space<vmem>>
    %dma_start3A_141 = arith.constant 2176 : i32
    %dma_start3A_142 = tpu.memref_slice %arg5[%dma_start3A_141] : memref<5000xi32, #tpu.memory_space<vmem>> -> memref<128xi32, #tpu.memory_space<vmem>>
    %dma_start3A_143 = arith.constant 0 : i32
    %dma_start3A_144 = arith.constant 0 : i32
    %dma_start3A_145 = tpu.memref_slice %arg2[%dma_start3A_143, %dma_start3A_144] : memref<10000x24xf32, #tpu.memory_space<hbm>> -> memref<10000x24xf32, #tpu.memory_space<hbm>>
    tpu.enqueue_indirect_dma source(%dma_start3A_145 : memref<10000x24xf32, #tpu.memory_space<hbm>>) target(%dma_start3A_140 : memref<128x24xf32, #tpu.memory_space<vmem>>) offsets(%dma_start3A_142 : memref<128xi32, #tpu.memory_space<vmem>>) semaphore(%arg7 : memref<!tpu.dma_semaphore, #tpu.memory_space<semaphore_mem>>)
    %dma_start3A_146 = arith.constant 2304 : i32
    %dma_start3A_147 = arith.constant 0 : i32
    %dma_start3A_148 = tpu.memref_slice %arg6[%dma_start3A_146, %dma_start3A_147] : memref<5000x24xf32, #tpu.memory_space<vmem>> -> memref<128x24xf32, #tpu.memory_space<vmem>>
    %dma_start3A_149 = arith.constant 2304 : i32
    %dma_start3A_150 = tpu.memref_slice %arg5[%dma_start3A_149] : memref<5000xi32, #tpu.memory_space<vmem>> -> memref<128xi32, #tpu.memory_space<vmem>>
    %dma_start3A_151 = arith.constant 0 : i32
    %dma_start3A_152 = arith.constant 0 : i32
    %dma_start3A_153 = tpu.memref_slice %arg2[%dma_start3A_151, %dma_start3A_152] : memref<10000x24xf32, #tpu.memory_space<hbm>> -> memref<10000x24xf32, #tpu.memory_space<hbm>>
    tpu.enqueue_indirect_dma source(%dma_start3A_153 : memref<10000x24xf32, #tpu.memory_space<hbm>>) target(%dma_start3A_148 : memref<128x24xf32, #tpu.memory_space<vmem>>) offsets(%dma_start3A_150 : memref<128xi32, #tpu.memory_space<vmem>>) semaphore(%arg7 : memref<!tpu.dma_semaphore, #tpu.memory_space<semaphore_mem>>)
    %dma_start3A_154 = arith.constant 2432 : i32
    %dma_start3A_155 = arith.constant 0 : i32
    %dma_start3A_156 = tpu.memref_slice %arg6[%dma_start3A_154, %dma_start3A_155] : memref<5000x24xf32, #tpu.memory_space<vmem>> -> memref<128x24xf32, #tpu.memory_space<vmem>>
    %dma_start3A_157 = arith.constant 2432 : i32
    %dma_start3A_158 = tpu.memref_slice %arg5[%dma_start3A_157] : memref<5000xi32, #tpu.memory_space<vmem>> -> memref<128xi32, #tpu.memory_space<vmem>>
    %dma_start3A_159 = arith.constant 0 : i32
    %dma_start3A_160 = arith.constant 0 : i32
    %dma_start3A_161 = tpu.memref_slice %arg2[%dma_start3A_159, %dma_start3A_160] : memref<10000x24xf32, #tpu.memory_space<hbm>> -> memref<10000x24xf32, #tpu.memory_space<hbm>>
    tpu.enqueue_indirect_dma source(%dma_start3A_161 : memref<10000x24xf32, #tpu.memory_space<hbm>>) target(%dma_start3A_156 : memref<128x24xf32, #tpu.memory_space<vmem>>) offsets(%dma_start3A_158 : memref<128xi32, #tpu.memory_space<vmem>>) semaphore(%arg7 : memref<!tpu.dma_semaphore, #tpu.memory_space<semaphore_mem>>)
    %dma_start3A_162 = arith.constant 2560 : i32
    %dma_start3A_163 = arith.constant 0 : i32
    %dma_start3A_164 = tpu.memref_slice %arg6[%dma_start3A_162, %dma_start3A_163] : memref<5000x24xf32, #tpu.memory_space<vmem>> -> memref<128x24xf32, #tpu.memory_space<vmem>>
    %dma_start3A_165 = arith.constant 2560 : i32
    %dma_start3A_166 = tpu.memref_slice %arg5[%dma_start3A_165] : memref<5000xi32, #tpu.memory_space<vmem>> -> memref<128xi32, #tpu.memory_space<vmem>>
    %dma_start3A_167 = arith.constant 0 : i32
    %dma_start3A_168 = arith.constant 0 : i32
    %dma_start3A_169 = tpu.memref_slice %arg2[%dma_start3A_167, %dma_start3A_168] : memref<10000x24xf32, #tpu.memory_space<hbm>> -> memref<10000x24xf32, #tpu.memory_space<hbm>>
    tpu.enqueue_indirect_dma source(%dma_start3A_169 : memref<10000x24xf32, #tpu.memory_space<hbm>>) target(%dma_start3A_164 : memref<128x24xf32, #tpu.memory_space<vmem>>) offsets(%dma_start3A_166 : memref<128xi32, #tpu.memory_space<vmem>>) semaphore(%arg7 : memref<!tpu.dma_semaphore, #tpu.memory_space<semaphore_mem>>)
    %dma_start3A_170 = arith.constant 2688 : i32
    %dma_start3A_171 = arith.constant 0 : i32
    %dma_start3A_172 = tpu.memref_slice %arg6[%dma_start3A_170, %dma_start3A_171] : memref<5000x24xf32, #tpu.memory_space<vmem>> -> memref<128x24xf32, #tpu.memory_space<vmem>>
    %dma_start3A_173 = arith.constant 2688 : i32
    %dma_start3A_174 = tpu.memref_slice %arg5[%dma_start3A_173] : memref<5000xi32, #tpu.memory_space<vmem>> -> memref<128xi32, #tpu.memory_space<vmem>>
    %dma_start3A_175 = arith.constant 0 : i32
    %dma_start3A_176 = arith.constant 0 : i32
    %dma_start3A_177 = tpu.memref_slice %arg2[%dma_start3A_175, %dma_start3A_176] : memref<10000x24xf32, #tpu.memory_space<hbm>> -> memref<10000x24xf32, #tpu.memory_space<hbm>>
    tpu.enqueue_indirect_dma source(%dma_start3A_177 : memref<10000x24xf32, #tpu.memory_space<hbm>>) target(%dma_start3A_172 : memref<128x24xf32, #tpu.memory_space<vmem>>) offsets(%dma_start3A_174 : memref<128xi32, #tpu.memory_space<vmem>>) semaphore(%arg7 : memref<!tpu.dma_semaphore, #tpu.memory_space<semaphore_mem>>)
    %dma_start3A_178 = arith.constant 2816 : i32
    %dma_start3A_179 = arith.constant 0 : i32
    %dma_start3A_180 = tpu.memref_slice %arg6[%dma_start3A_178, %dma_start3A_179] : memref<5000x24xf32, #tpu.memory_space<vmem>> -> memref<128x24xf32, #tpu.memory_space<vmem>>
    %dma_start3A_181 = arith.constant 2816 : i32
    %dma_start3A_182 = tpu.memref_slice %arg5[%dma_start3A_181] : memref<5000xi32, #tpu.memory_space<vmem>> -> memref<128xi32, #tpu.memory_space<vmem>>
    %dma_start3A_183 = arith.constant 0 : i32
    %dma_start3A_184 = arith.constant 0 : i32
    %dma_start3A_185 = tpu.memref_slice %arg2[%dma_start3A_183, %dma_start3A_184] : memref<10000x24xf32, #tpu.memory_space<hbm>> -> memref<10000x24xf32, #tpu.memory_space<hbm>>
    tpu.enqueue_indirect_dma source(%dma_start3A_185 : memref<10000x24xf32, #tpu.memory_space<hbm>>) target(%dma_start3A_180 : memref<128x24xf32, #tpu.memory_space<vmem>>) offsets(%dma_start3A_182 : memref<128xi32, #tpu.memory_space<vmem>>) semaphore(%arg7 : memref<!tpu.dma_semaphore, #tpu.memory_space<semaphore_mem>>)
    %dma_start3A_186 = arith.constant 2944 : i32
    %dma_start3A_187 = arith.constant 0 : i32
    %dma_start3A_188 = tpu.memref_slice %arg6[%dma_start3A_186, %dma_start3A_187] : memref<5000x24xf32, #tpu.memory_space<vmem>> -> memref<128x24xf32, #tpu.memory_space<vmem>>
    %dma_start3A_189 = arith.constant 2944 : i32
    %dma_start3A_190 = tpu.memref_slice %arg5[%dma_start3A_189] : memref<5000xi32, #tpu.memory_space<vmem>> -> memref<128xi32, #tpu.memory_space<vmem>>
    %dma_start3A_191 = arith.constant 0 : i32
    %dma_start3A_192 = arith.constant 0 : i32
    %dma_start3A_193 = tpu.memref_slice %arg2[%dma_start3A_191, %dma_start3A_192] : memref<10000x24xf32, #tpu.memory_space<hbm>> -> memref<10000x24xf32, #tpu.memory_space<hbm>>
    tpu.enqueue_indirect_dma source(%dma_start3A_193 : memref<10000x24xf32, #tpu.memory_space<hbm>>) target(%dma_start3A_188 : memref<128x24xf32, #tpu.memory_space<vmem>>) offsets(%dma_start3A_190 : memref<128xi32, #tpu.memory_space<vmem>>) semaphore(%arg7 : memref<!tpu.dma_semaphore, #tpu.memory_space<semaphore_mem>>)
    %dma_start3A_194 = arith.constant 3072 : i32
    %dma_start3A_195 = arith.constant 0 : i32
    %dma_start3A_196 = tpu.memref_slice %arg6[%dma_start3A_194, %dma_start3A_195] : memref<5000x24xf32, #tpu.memory_space<vmem>> -> memref<128x24xf32, #tpu.memory_space<vmem>>
    %dma_start3A_197 = arith.constant 3072 : i32
    %dma_start3A_198 = tpu.memref_slice %arg5[%dma_start3A_197] : memref<5000xi32, #tpu.memory_space<vmem>> -> memref<128xi32, #tpu.memory_space<vmem>>
    %dma_start3A_199 = arith.constant 0 : i32
    %dma_start3A_200 = arith.constant 0 : i32
    %dma_start3A_201 = tpu.memref_slice %arg2[%dma_start3A_199, %dma_start3A_200] : memref<10000x24xf32, #tpu.memory_space<hbm>> -> memref<10000x24xf32, #tpu.memory_space<hbm>>
    tpu.enqueue_indirect_dma source(%dma_start3A_201 : memref<10000x24xf32, #tpu.memory_space<hbm>>) target(%dma_start3A_196 : memref<128x24xf32, #tpu.memory_space<vmem>>) offsets(%dma_start3A_198 : memref<128xi32, #tpu.memory_space<vmem>>) semaphore(%arg7 : memref<!tpu.dma_semaphore, #tpu.memory_space<semaphore_mem>>)
    %dma_start3A_202 = arith.constant 3200 : i32
    %dma_start3A_203 = arith.constant 0 : i32
    %dma_start3A_204 = tpu.memref_slice %arg6[%dma_start3A_202, %dma_start3A_203] : memref<5000x24xf32, #tpu.memory_space<vmem>> -> memref<128x24xf32, #tpu.memory_space<vmem>>
    %dma_start3A_205 = arith.constant 3200 : i32
    %dma_start3A_206 = tpu.memref_slice %arg5[%dma_start3A_205] : memref<5000xi32, #tpu.memory_space<vmem>> -> memref<128xi32, #tpu.memory_space<vmem>>
    %dma_start3A_207 = arith.constant 0 : i32
    %dma_start3A_208 = arith.constant 0 : i32
    %dma_start3A_209 = tpu.memref_slice %arg2[%dma_start3A_207, %dma_start3A_208] : memref<10000x24xf32, #tpu.memory_space<hbm>> -> memref<10000x24xf32, #tpu.memory_space<hbm>>
    tpu.enqueue_indirect_dma source(%dma_start3A_209 : memref<10000x24xf32, #tpu.memory_space<hbm>>) target(%dma_start3A_204 : memref<128x24xf32, #tpu.memory_space<vmem>>) offsets(%dma_start3A_206 : memref<128xi32, #tpu.memory_space<vmem>>) semaphore(%arg7 : memref<!tpu.dma_semaphore, #tpu.memory_space<semaphore_mem>>)
    %dma_start3A_210 = arith.constant 3328 : i32
    %dma_start3A_211 = arith.constant 0 : i32
    %dma_start3A_212 = tpu.memref_slice %arg6[%dma_start3A_210, %dma_start3A_211] : memref<5000x24xf32, #tpu.memory_space<vmem>> -> memref<128x24xf32, #tpu.memory_space<vmem>>
    %dma_start3A_213 = arith.constant 3328 : i32
    %dma_start3A_214 = tpu.memref_slice %arg5[%dma_start3A_213] : memref<5000xi32, #tpu.memory_space<vmem>> -> memref<128xi32, #tpu.memory_space<vmem>>
    %dma_start3A_215 = arith.constant 0 : i32
    %dma_start3A_216 = arith.constant 0 : i32
    %dma_start3A_217 = tpu.memref_slice %arg2[%dma_start3A_215, %dma_start3A_216] : memref<10000x24xf32, #tpu.memory_space<hbm>> -> memref<10000x24xf32, #tpu.memory_space<hbm>>
    tpu.enqueue_indirect_dma source(%dma_start3A_217 : memref<10000x24xf32, #tpu.memory_space<hbm>>) target(%dma_start3A_212 : memref<128x24xf32, #tpu.memory_space<vmem>>) offsets(%dma_start3A_214 : memref<128xi32, #tpu.memory_space<vmem>>) semaphore(%arg7 : memref<!tpu.dma_semaphore, #tpu.memory_space<semaphore_mem>>)
    %dma_start3A_218 = arith.constant 3456 : i32
    %dma_start3A_219 = arith.constant 0 : i32
    %dma_start3A_220 = tpu.memref_slice %arg6[%dma_start3A_218, %dma_start3A_219] : memref<5000x24xf32, #tpu.memory_space<vmem>> -> memref<128x24xf32, #tpu.memory_space<vmem>>
    %dma_start3A_221 = arith.constant 3456 : i32
    %dma_start3A_222 = tpu.memref_slice %arg5[%dma_start3A_221] : memref<5000xi32, #tpu.memory_space<vmem>> -> memref<128xi32, #tpu.memory_space<vmem>>
    %dma_start3A_223 = arith.constant 0 : i32
    %dma_start3A_224 = arith.constant 0 : i32
    %dma_start3A_225 = tpu.memref_slice %arg2[%dma_start3A_223, %dma_start3A_224] : memref<10000x24xf32, #tpu.memory_space<hbm>> -> memref<10000x24xf32, #tpu.memory_space<hbm>>
    tpu.enqueue_indirect_dma source(%dma_start3A_225 : memref<10000x24xf32, #tpu.memory_space<hbm>>) target(%dma_start3A_220 : memref<128x24xf32, #tpu.memory_space<vmem>>) offsets(%dma_start3A_222 : memref<128xi32, #tpu.memory_space<vmem>>) semaphore(%arg7 : memref<!tpu.dma_semaphore, #tpu.memory_space<semaphore_mem>>)
    %dma_start3A_226 = arith.constant 3584 : i32
    %dma_start3A_227 = arith.constant 0 : i32
    %dma_start3A_228 = tpu.memref_slice %arg6[%dma_start3A_226, %dma_start3A_227] : memref<5000x24xf32, #tpu.memory_space<vmem>> -> memref<128x24xf32, #tpu.memory_space<vmem>>
    %dma_start3A_229 = arith.constant 3584 : i32
    %dma_start3A_230 = tpu.memref_slice %arg5[%dma_start3A_229] : memref<5000xi32, #tpu.memory_space<vmem>> -> memref<128xi32, #tpu.memory_space<vmem>>
    %dma_start3A_231 = arith.constant 0 : i32
    %dma_start3A_232 = arith.constant 0 : i32
    %dma_start3A_233 = tpu.memref_slice %arg2[%dma_start3A_231, %dma_start3A_232] : memref<10000x24xf32, #tpu.memory_space<hbm>> -> memref<10000x24xf32, #tpu.memory_space<hbm>>
    tpu.enqueue_indirect_dma source(%dma_start3A_233 : memref<10000x24xf32, #tpu.memory_space<hbm>>) target(%dma_start3A_228 : memref<128x24xf32, #tpu.memory_space<vmem>>) offsets(%dma_start3A_230 : memref<128xi32, #tpu.memory_space<vmem>>) semaphore(%arg7 : memref<!tpu.dma_semaphore, #tpu.memory_space<semaphore_mem>>)
    %dma_start3A_234 = arith.constant 3712 : i32
    %dma_start3A_235 = arith.constant 0 : i32
    %dma_start3A_236 = tpu.memref_slice %arg6[%dma_start3A_234, %dma_start3A_235] : memref<5000x24xf32, #tpu.memory_space<vmem>> -> memref<128x24xf32, #tpu.memory_space<vmem>>
    %dma_start3A_237 = arith.constant 3712 : i32
    %dma_start3A_238 = tpu.memref_slice %arg5[%dma_start3A_237] : memref<5000xi32, #tpu.memory_space<vmem>> -> memref<128xi32, #tpu.memory_space<vmem>>
    %dma_start3A_239 = arith.constant 0 : i32
    %dma_start3A_240 = arith.constant 0 : i32
    %dma_start3A_241 = tpu.memref_slice %arg2[%dma_start3A_239, %dma_start3A_240] : memref<10000x24xf32, #tpu.memory_space<hbm>> -> memref<10000x24xf32, #tpu.memory_space<hbm>>
    tpu.enqueue_indirect_dma source(%dma_start3A_241 : memref<10000x24xf32, #tpu.memory_space<hbm>>) target(%dma_start3A_236 : memref<128x24xf32, #tpu.memory_space<vmem>>) offsets(%dma_start3A_238 : memref<128xi32, #tpu.memory_space<vmem>>) semaphore(%arg7 : memref<!tpu.dma_semaphore, #tpu.memory_space<semaphore_mem>>)
    %dma_start3A_242 = arith.constant 3840 : i32
    %dma_start3A_243 = arith.constant 0 : i32
    %dma_start3A_244 = tpu.memref_slice %arg6[%dma_start3A_242, %dma_start3A_243] : memref<5000x24xf32, #tpu.memory_space<vmem>> -> memref<128x24xf32, #tpu.memory_space<vmem>>
    %dma_start3A_245 = arith.constant 3840 : i32
    %dma_start3A_246 = tpu.memref_slice %arg5[%dma_start3A_245] : memref<5000xi32, #tpu.memory_space<vmem>> -> memref<128xi32, #tpu.memory_space<vmem>>
    %dma_start3A_247 = arith.constant 0 : i32
    %dma_start3A_248 = arith.constant 0 : i32
    %dma_start3A_249 = tpu.memref_slice %arg2[%dma_start3A_247, %dma_start3A_248] : memref<10000x24xf32, #tpu.memory_space<hbm>> -> memref<10000x24xf32, #tpu.memory_space<hbm>>
    tpu.enqueue_indirect_dma source(%dma_start3A_249 : memref<10000x24xf32, #tpu.memory_space<hbm>>) target(%dma_start3A_244 : memref<128x24xf32, #tpu.memory_space<vmem>>) offsets(%dma_start3A_246 : memref<128xi32, #tpu.memory_space<vmem>>) semaphore(%arg7 : memref<!tpu.dma_semaphore, #tpu.memory_space<semaphore_mem>>)
    %dma_start3A_250 = arith.constant 3968 : i32
    %dma_start3A_251 = arith.constant 0 : i32
    %dma_start3A_252 = tpu.memref_slice %arg6[%dma_start3A_250, %dma_start3A_251] : memref<5000x24xf32, #tpu.memory_space<vmem>> -> memref<128x24xf32, #tpu.memory_space<vmem>>
    %dma_start3A_253 = arith.constant 3968 : i32
    %dma_start3A_254 = tpu.memref_slice %arg5[%dma_start3A_253] : memref<5000xi32, #tpu.memory_space<vmem>> -> memref<128xi32, #tpu.memory_space<vmem>>
    %dma_start3A_255 = arith.constant 0 : i32
    %dma_start3A_256 = arith.constant 0 : i32
    %dma_start3A_257 = tpu.memref_slice %arg2[%dma_start3A_255, %dma_start3A_256] : memref<10000x24xf32, #tpu.memory_space<hbm>> -> memref<10000x24xf32, #tpu.memory_space<hbm>>
    tpu.enqueue_indirect_dma source(%dma_start3A_257 : memref<10000x24xf32, #tpu.memory_space<hbm>>) target(%dma_start3A_252 : memref<128x24xf32, #tpu.memory_space<vmem>>) offsets(%dma_start3A_254 : memref<128xi32, #tpu.memory_space<vmem>>) semaphore(%arg7 : memref<!tpu.dma_semaphore, #tpu.memory_space<semaphore_mem>>)
    %dma_start3A_258 = arith.constant 4096 : i32
    %dma_start3A_259 = arith.constant 0 : i32
    %dma_start3A_260 = tpu.memref_slice %arg6[%dma_start3A_258, %dma_start3A_259] : memref<5000x24xf32, #tpu.memory_space<vmem>> -> memref<128x24xf32, #tpu.memory_space<vmem>>
    %dma_start3A_261 = arith.constant 4096 : i32
    %dma_start3A_262 = tpu.memref_slice %arg5[%dma_start3A_261] : memref<5000xi32, #tpu.memory_space<vmem>> -> memref<128xi32, #tpu.memory_space<vmem>>
    %dma_start3A_263 = arith.constant 0 : i32
    %dma_start3A_264 = arith.constant 0 : i32
    %dma_start3A_265 = tpu.memref_slice %arg2[%dma_start3A_263, %dma_start3A_264] : memref<10000x24xf32, #tpu.memory_space<hbm>> -> memref<10000x24xf32, #tpu.memory_space<hbm>>
    tpu.enqueue_indirect_dma source(%dma_start3A_265 : memref<10000x24xf32, #tpu.memory_space<hbm>>) target(%dma_start3A_260 : memref<128x24xf32, #tpu.memory_space<vmem>>) offsets(%dma_start3A_262 : memref<128xi32, #tpu.memory_space<vmem>>) semaphore(%arg7 : memref<!tpu.dma_semaphore, #tpu.memory_space<semaphore_mem>>)
    %dma_start3A_266 = arith.constant 4224 : i32
    %dma_start3A_267 = arith.constant 0 : i32
    %dma_start3A_268 = tpu.memref_slice %arg6[%dma_start3A_266, %dma_start3A_267] : memref<5000x24xf32, #tpu.memory_space<vmem>> -> memref<128x24xf32, #tpu.memory_space<vmem>>
    %dma_start3A_269 = arith.constant 4224 : i32
    %dma_start3A_270 = tpu.memref_slice %arg5[%dma_start3A_269] : memref<5000xi32, #tpu.memory_space<vmem>> -> memref<128xi32, #tpu.memory_space<vmem>>
    %dma_start3A_271 = arith.constant 0 : i32
    %dma_start3A_272 = arith.constant 0 : i32
    %dma_start3A_273 = tpu.memref_slice %arg2[%dma_start3A_271, %dma_start3A_272] : memref<10000x24xf32, #tpu.memory_space<hbm>> -> memref<10000x24xf32, #tpu.memory_space<hbm>>
    tpu.enqueue_indirect_dma source(%dma_start3A_273 : memref<10000x24xf32, #tpu.memory_space<hbm>>) target(%dma_start3A_268 : memref<128x24xf32, #tpu.memory_space<vmem>>) offsets(%dma_start3A_270 : memref<128xi32, #tpu.memory_space<vmem>>) semaphore(%arg7 : memref<!tpu.dma_semaphore, #tpu.memory_space<semaphore_mem>>)
    %dma_start3A_274 = arith.constant 4352 : i32
    %dma_start3A_275 = arith.constant 0 : i32
    %dma_start3A_276 = tpu.memref_slice %arg6[%dma_start3A_274, %dma_start3A_275] : memref<5000x24xf32, #tpu.memory_space<vmem>> -> memref<128x24xf32, #tpu.memory_space<vmem>>
    %dma_start3A_277 = arith.constant 4352 : i32
    %dma_start3A_278 = tpu.memref_slice %arg5[%dma_start3A_277] : memref<5000xi32, #tpu.memory_space<vmem>> -> memref<128xi32, #tpu.memory_space<vmem>>
    %dma_start3A_279 = arith.constant 0 : i32
    %dma_start3A_280 = arith.constant 0 : i32
    %dma_start3A_281 = tpu.memref_slice %arg2[%dma_start3A_279, %dma_start3A_280] : memref<10000x24xf32, #tpu.memory_space<hbm>> -> memref<10000x24xf32, #tpu.memory_space<hbm>>
    tpu.enqueue_indirect_dma source(%dma_start3A_281 : memref<10000x24xf32, #tpu.memory_space<hbm>>) target(%dma_start3A_276 : memref<128x24xf32, #tpu.memory_space<vmem>>) offsets(%dma_start3A_278 : memref<128xi32, #tpu.memory_space<vmem>>) semaphore(%arg7 : memref<!tpu.dma_semaphore, #tpu.memory_space<semaphore_mem>>)
    %dma_start3A_282 = arith.constant 4480 : i32
    %dma_start3A_283 = arith.constant 0 : i32
    %dma_start3A_284 = tpu.memref_slice %arg6[%dma_start3A_282, %dma_start3A_283] : memref<5000x24xf32, #tpu.memory_space<vmem>> -> memref<128x24xf32, #tpu.memory_space<vmem>>
    %dma_start3A_285 = arith.constant 4480 : i32
    %dma_start3A_286 = tpu.memref_slice %arg5[%dma_start3A_285] : memref<5000xi32, #tpu.memory_space<vmem>> -> memref<128xi32, #tpu.memory_space<vmem>>
    %dma_start3A_287 = arith.constant 0 : i32
    %dma_start3A_288 = arith.constant 0 : i32
    %dma_start3A_289 = tpu.memref_slice %arg2[%dma_start3A_287, %dma_start3A_288] : memref<10000x24xf32, #tpu.memory_space<hbm>> -> memref<10000x24xf32, #tpu.memory_space<hbm>>
    tpu.enqueue_indirect_dma source(%dma_start3A_289 : memref<10000x24xf32, #tpu.memory_space<hbm>>) target(%dma_start3A_284 : memref<128x24xf32, #tpu.memory_space<vmem>>) offsets(%dma_start3A_286 : memref<128xi32, #tpu.memory_space<vmem>>) semaphore(%arg7 : memref<!tpu.dma_semaphore, #tpu.memory_space<semaphore_mem>>)
    %dma_start3A_290 = arith.constant 4608 : i32
    %dma_start3A_291 = arith.constant 0 : i32
    %dma_start3A_292 = tpu.memref_slice %arg6[%dma_start3A_290, %dma_start3A_291] : memref<5000x24xf32, #tpu.memory_space<vmem>> -> memref<128x24xf32, #tpu.memory_space<vmem>>
    %dma_start3A_293 = arith.constant 4608 : i32
    %dma_start3A_294 = tpu.memref_slice %arg5[%dma_start3A_293] : memref<5000xi32, #tpu.memory_space<vmem>> -> memref<128xi32, #tpu.memory_space<vmem>>
    %dma_start3A_295 = arith.constant 0 : i32
    %dma_start3A_296 = arith.constant 0 : i32
    %dma_start3A_297 = tpu.memref_slice %arg2[%dma_start3A_295, %dma_start3A_296] : memref<10000x24xf32, #tpu.memory_space<hbm>> -> memref<10000x24xf32, #tpu.memory_space<hbm>>
    tpu.enqueue_indirect_dma source(%dma_start3A_297 : memref<10000x24xf32, #tpu.memory_space<hbm>>) target(%dma_start3A_292 : memref<128x24xf32, #tpu.memory_space<vmem>>) offsets(%dma_start3A_294 : memref<128xi32, #tpu.memory_space<vmem>>) semaphore(%arg7 : memref<!tpu.dma_semaphore, #tpu.memory_space<semaphore_mem>>)
    %dma_start3A_298 = arith.constant 4736 : i32
    %dma_start3A_299 = arith.constant 0 : i32
    %dma_start3A_300 = tpu.memref_slice %arg6[%dma_start3A_298, %dma_start3A_299] : memref<5000x24xf32, #tpu.memory_space<vmem>> -> memref<128x24xf32, #tpu.memory_space<vmem>>
    %dma_start3A_301 = arith.constant 4736 : i32
    %dma_start3A_302 = tpu.memref_slice %arg5[%dma_start3A_301] : memref<5000xi32, #tpu.memory_space<vmem>> -> memref<128xi32, #tpu.memory_space<vmem>>
    %dma_start3A_303 = arith.constant 0 : i32
    %dma_start3A_304 = arith.constant 0 : i32
    %dma_start3A_305 = tpu.memref_slice %arg2[%dma_start3A_303, %dma_start3A_304] : memref<10000x24xf32, #tpu.memory_space<hbm>> -> memref<10000x24xf32, #tpu.memory_space<hbm>>
    tpu.enqueue_indirect_dma source(%dma_start3A_305 : memref<10000x24xf32, #tpu.memory_space<hbm>>) target(%dma_start3A_300 : memref<128x24xf32, #tpu.memory_space<vmem>>) offsets(%dma_start3A_302 : memref<128xi32, #tpu.memory_space<vmem>>) semaphore(%arg7 : memref<!tpu.dma_semaphore, #tpu.memory_space<semaphore_mem>>)
    %dma_start3A_306 = arith.constant 4864 : i32
    %dma_start3A_307 = arith.constant 0 : i32
    %dma_start3A_308 = tpu.memref_slice %arg6[%dma_start3A_306, %dma_start3A_307] : memref<5000x24xf32, #tpu.memory_space<vmem>> -> memref<128x24xf32, #tpu.memory_space<vmem>>
    %dma_start3A_309 = arith.constant 4864 : i32
    %dma_start3A_310 = tpu.memref_slice %arg5[%dma_start3A_309] : memref<5000xi32, #tpu.memory_space<vmem>> -> memref<128xi32, #tpu.memory_space<vmem>>
    %dma_start3A_311 = arith.constant 0 : i32
    %dma_start3A_312 = arith.constant 0 : i32
    %dma_start3A_313 = tpu.memref_slice %arg2[%dma_start3A_311, %dma_start3A_312] : memref<10000x24xf32, #tpu.memory_space<hbm>> -> memref<10000x24xf32, #tpu.memory_space<hbm>>
    tpu.enqueue_indirect_dma source(%dma_start3A_313 : memref<10000x24xf32, #tpu.memory_space<hbm>>) target(%dma_start3A_308 : memref<128x24xf32, #tpu.memory_space<vmem>>) offsets(%dma_start3A_310 : memref<128xi32, #tpu.memory_space<vmem>>) semaphore(%arg7 : memref<!tpu.dma_semaphore, #tpu.memory_space<semaphore_mem>>)
    %dma_start3A_314 = arith.constant 4992 : i32
    %dma_start3A_315 = arith.constant 0 : i32
    %dma_start3A_316 = tpu.memref_slice %arg6[%dma_start3A_314, %dma_start3A_315] : memref<5000x24xf32, #tpu.memory_space<vmem>> -> memref<8x24xf32, #tpu.memory_space<vmem>>
    %dma_start3A_317 = arith.constant 4992 : i32
    %dma_start3A_318 = tpu.memref_slice %arg5[%dma_start3A_317] : memref<5000xi32, #tpu.memory_space<vmem>> -> memref<8xi32, #tpu.memory_space<vmem>>
    %dma_start3A_319 = arith.constant 0 : i32
    %dma_start3A_320 = arith.constant 0 : i32
    %dma_start3A_321 = tpu.memref_slice %arg2[%dma_start3A_319, %dma_start3A_320] : memref<10000x24xf32, #tpu.memory_space<hbm>> -> memref<10000x24xf32, #tpu.memory_space<hbm>>
    tpu.enqueue_indirect_dma source(%dma_start3A_321 : memref<10000x24xf32, #tpu.memory_space<hbm>>) target(%dma_start3A_316 : memref<8x24xf32, #tpu.memory_space<vmem>>) offsets(%dma_start3A_318 : memref<8xi32, #tpu.memory_space<vmem>>) semaphore(%arg7 : memref<!tpu.dma_semaphore, #tpu.memory_space<semaphore_mem>>)
    %dma_wait3A = arith.constant 0 : i32
    %dma_wait3A_322 = arith.constant 0 : i32
    %dma_wait3A_323 = tpu.memref_slice %arg6[%dma_wait3A, %dma_wait3A_322] : memref<5000x24xf32, #tpu.memory_space<vmem>> -> memref<128x24xf32, #tpu.memory_space<vmem>>
    %dma_wait3A_324 = arith.constant 0 : i32
    %dma_wait3A_325 = tpu.memref_slice %arg5[%dma_wait3A_324] : memref<5000xi32, #tpu.memory_space<vmem>> -> memref<128xi32, #tpu.memory_space<vmem>>
    %dma_wait3A_326 = arith.constant 0 : i32
    %dma_wait3A_327 = arith.constant 0 : i32
    %dma_wait3A_328 = tpu.memref_slice %arg2[%dma_wait3A_326, %dma_wait3A_327] : memref<10000x24xf32, #tpu.memory_space<hbm>> -> memref<10000x24xf32, #tpu.memory_space<hbm>>
    tpu.wait_indirect_dma semaphore(%arg7 : memref<!tpu.dma_semaphore, #tpu.memory_space<semaphore_mem>>) src(%dma_wait3A_328 : memref<10000x24xf32, #tpu.memory_space<hbm>>) dst(%dma_wait3A_323 : memref<128x24xf32, #tpu.memory_space<vmem>>)
    %dma_wait3A_329 = arith.constant 128 : i32
    %dma_wait3A_330 = arith.constant 0 : i32
    %dma_wait3A_331 = tpu.memref_slice %arg6[%dma_wait3A_329, %dma_wait3A_330] : memref<5000x24xf32, #tpu.memory_space<vmem>> -> memref<128x24xf32, #tpu.memory_space<vmem>>
    %dma_wait3A_332 = arith.constant 128 : i32
    %dma_wait3A_333 = tpu.memref_slice %arg5[%dma_wait3A_332] : memref<5000xi32, #tpu.memory_space<vmem>> -> memref<128xi32, #tpu.memory_space<vmem>>
    %dma_wait3A_334 = arith.constant 0 : i32
    %dma_wait3A_335 = arith.constant 0 : i32
    %dma_wait3A_336 = tpu.memref_slice %arg2[%dma_wait3A_334, %dma_wait3A_335] : memref<10000x24xf32, #tpu.memory_space<hbm>> -> memref<10000x24xf32, #tpu.memory_space<hbm>>
    tpu.wait_indirect_dma semaphore(%arg7 : memref<!tpu.dma_semaphore, #tpu.memory_space<semaphore_mem>>) src(%dma_wait3A_336 : memref<10000x24xf32, #tpu.memory_space<hbm>>) dst(%dma_wait3A_331 : memref<128x24xf32, #tpu.memory_space<vmem>>)
    %dma_wait3A_337 = arith.constant 256 : i32
    %dma_wait3A_338 = arith.constant 0 : i32
    %dma_wait3A_339 = tpu.memref_slice %arg6[%dma_wait3A_337, %dma_wait3A_338] : memref<5000x24xf32, #tpu.memory_space<vmem>> -> memref<128x24xf32, #tpu.memory_space<vmem>>
    %dma_wait3A_340 = arith.constant 256 : i32
    %dma_wait3A_341 = tpu.memref_slice %arg5[%dma_wait3A_340] : memref<5000xi32, #tpu.memory_space<vmem>> -> memref<128xi32, #tpu.memory_space<vmem>>
    %dma_wait3A_342 = arith.constant 0 : i32
    %dma_wait3A_343 = arith.constant 0 : i32
    %dma_wait3A_344 = tpu.memref_slice %arg2[%dma_wait3A_342, %dma_wait3A_343] : memref<10000x24xf32, #tpu.memory_space<hbm>> -> memref<10000x24xf32, #tpu.memory_space<hbm>>
    tpu.wait_indirect_dma semaphore(%arg7 : memref<!tpu.dma_semaphore, #tpu.memory_space<semaphore_mem>>) src(%dma_wait3A_344 : memref<10000x24xf32, #tpu.memory_space<hbm>>) dst(%dma_wait3A_339 : memref<128x24xf32, #tpu.memory_space<vmem>>)
    %dma_wait3A_345 = arith.constant 384 : i32
    %dma_wait3A_346 = arith.constant 0 : i32
    %dma_wait3A_347 = tpu.memref_slice %arg6[%dma_wait3A_345, %dma_wait3A_346] : memref<5000x24xf32, #tpu.memory_space<vmem>> -> memref<128x24xf32, #tpu.memory_space<vmem>>
    %dma_wait3A_348 = arith.constant 384 : i32
    %dma_wait3A_349 = tpu.memref_slice %arg5[%dma_wait3A_348] : memref<5000xi32, #tpu.memory_space<vmem>> -> memref<128xi32, #tpu.memory_space<vmem>>
    %dma_wait3A_350 = arith.constant 0 : i32
    %dma_wait3A_351 = arith.constant 0 : i32
    %dma_wait3A_352 = tpu.memref_slice %arg2[%dma_wait3A_350, %dma_wait3A_351] : memref<10000x24xf32, #tpu.memory_space<hbm>> -> memref<10000x24xf32, #tpu.memory_space<hbm>>
    tpu.wait_indirect_dma semaphore(%arg7 : memref<!tpu.dma_semaphore, #tpu.memory_space<semaphore_mem>>) src(%dma_wait3A_352 : memref<10000x24xf32, #tpu.memory_space<hbm>>) dst(%dma_wait3A_347 : memref<128x24xf32, #tpu.memory_space<vmem>>)
    %dma_wait3A_353 = arith.constant 512 : i32
    %dma_wait3A_354 = arith.constant 0 : i32
    %dma_wait3A_355 = tpu.memref_slice %arg6[%dma_wait3A_353, %dma_wait3A_354] : memref<5000x24xf32, #tpu.memory_space<vmem>> -> memref<128x24xf32, #tpu.memory_space<vmem>>
    %dma_wait3A_356 = arith.constant 512 : i32
    %dma_wait3A_357 = tpu.memref_slice %arg5[%dma_wait3A_356] : memref<5000xi32, #tpu.memory_space<vmem>> -> memref<128xi32, #tpu.memory_space<vmem>>
    %dma_wait3A_358 = arith.constant 0 : i32
    %dma_wait3A_359 = arith.constant 0 : i32
    %dma_wait3A_360 = tpu.memref_slice %arg2[%dma_wait3A_358, %dma_wait3A_359] : memref<10000x24xf32, #tpu.memory_space<hbm>> -> memref<10000x24xf32, #tpu.memory_space<hbm>>
    tpu.wait_indirect_dma semaphore(%arg7 : memref<!tpu.dma_semaphore, #tpu.memory_space<semaphore_mem>>) src(%dma_wait3A_360 : memref<10000x24xf32, #tpu.memory_space<hbm>>) dst(%dma_wait3A_355 : memref<128x24xf32, #tpu.memory_space<vmem>>)
    %dma_wait3A_361 = arith.constant 640 : i32
    %dma_wait3A_362 = arith.constant 0 : i32
    %dma_wait3A_363 = tpu.memref_slice %arg6[%dma_wait3A_361, %dma_wait3A_362] : memref<5000x24xf32, #tpu.memory_space<vmem>> -> memref<128x24xf32, #tpu.memory_space<vmem>>
    %dma_wait3A_364 = arith.constant 640 : i32
    %dma_wait3A_365 = tpu.memref_slice %arg5[%dma_wait3A_364] : memref<5000xi32, #tpu.memory_space<vmem>> -> memref<128xi32, #tpu.memory_space<vmem>>
    %dma_wait3A_366 = arith.constant 0 : i32
    %dma_wait3A_367 = arith.constant 0 : i32
    %dma_wait3A_368 = tpu.memref_slice %arg2[%dma_wait3A_366, %dma_wait3A_367] : memref<10000x24xf32, #tpu.memory_space<hbm>> -> memref<10000x24xf32, #tpu.memory_space<hbm>>
    tpu.wait_indirect_dma semaphore(%arg7 : memref<!tpu.dma_semaphore, #tpu.memory_space<semaphore_mem>>) src(%dma_wait3A_368 : memref<10000x24xf32, #tpu.memory_space<hbm>>) dst(%dma_wait3A_363 : memref<128x24xf32, #tpu.memory_space<vmem>>)
    %dma_wait3A_369 = arith.constant 768 : i32
    %dma_wait3A_370 = arith.constant 0 : i32
    %dma_wait3A_371 = tpu.memref_slice %arg6[%dma_wait3A_369, %dma_wait3A_370] : memref<5000x24xf32, #tpu.memory_space<vmem>> -> memref<128x24xf32, #tpu.memory_space<vmem>>
    %dma_wait3A_372 = arith.constant 768 : i32
    %dma_wait3A_373 = tpu.memref_slice %arg5[%dma_wait3A_372] : memref<5000xi32, #tpu.memory_space<vmem>> -> memref<128xi32, #tpu.memory_space<vmem>>
    %dma_wait3A_374 = arith.constant 0 : i32
    %dma_wait3A_375 = arith.constant 0 : i32
    %dma_wait3A_376 = tpu.memref_slice %arg2[%dma_wait3A_374, %dma_wait3A_375] : memref<10000x24xf32, #tpu.memory_space<hbm>> -> memref<10000x24xf32, #tpu.memory_space<hbm>>
    tpu.wait_indirect_dma semaphore(%arg7 : memref<!tpu.dma_semaphore, #tpu.memory_space<semaphore_mem>>) src(%dma_wait3A_376 : memref<10000x24xf32, #tpu.memory_space<hbm>>) dst(%dma_wait3A_371 : memref<128x24xf32, #tpu.memory_space<vmem>>)
    %dma_wait3A_377 = arith.constant 896 : i32
    %dma_wait3A_378 = arith.constant 0 : i32
    %dma_wait3A_379 = tpu.memref_slice %arg6[%dma_wait3A_377, %dma_wait3A_378] : memref<5000x24xf32, #tpu.memory_space<vmem>> -> memref<128x24xf32, #tpu.memory_space<vmem>>
    %dma_wait3A_380 = arith.constant 896 : i32
    %dma_wait3A_381 = tpu.memref_slice %arg5[%dma_wait3A_380] : memref<5000xi32, #tpu.memory_space<vmem>> -> memref<128xi32, #tpu.memory_space<vmem>>
    %dma_wait3A_382 = arith.constant 0 : i32
    %dma_wait3A_383 = arith.constant 0 : i32
    %dma_wait3A_384 = tpu.memref_slice %arg2[%dma_wait3A_382, %dma_wait3A_383] : memref<10000x24xf32, #tpu.memory_space<hbm>> -> memref<10000x24xf32, #tpu.memory_space<hbm>>
    tpu.wait_indirect_dma semaphore(%arg7 : memref<!tpu.dma_semaphore, #tpu.memory_space<semaphore_mem>>) src(%dma_wait3A_384 : memref<10000x24xf32, #tpu.memory_space<hbm>>) dst(%dma_wait3A_379 : memref<128x24xf32, #tpu.memory_space<vmem>>)
    %dma_wait3A_385 = arith.constant 1024 : i32
    %dma_wait3A_386 = arith.constant 0 : i32
    %dma_wait3A_387 = tpu.memref_slice %arg6[%dma_wait3A_385, %dma_wait3A_386] : memref<5000x24xf32, #tpu.memory_space<vmem>> -> memref<128x24xf32, #tpu.memory_space<vmem>>
    %dma_wait3A_388 = arith.constant 1024 : i32
    %dma_wait3A_389 = tpu.memref_slice %arg5[%dma_wait3A_388] : memref<5000xi32, #tpu.memory_space<vmem>> -> memref<128xi32, #tpu.memory_space<vmem>>
    %dma_wait3A_390 = arith.constant 0 : i32
    %dma_wait3A_391 = arith.constant 0 : i32
    %dma_wait3A_392 = tpu.memref_slice %arg2[%dma_wait3A_390, %dma_wait3A_391] : memref<10000x24xf32, #tpu.memory_space<hbm>> -> memref<10000x24xf32, #tpu.memory_space<hbm>>
    tpu.wait_indirect_dma semaphore(%arg7 : memref<!tpu.dma_semaphore, #tpu.memory_space<semaphore_mem>>) src(%dma_wait3A_392 : memref<10000x24xf32, #tpu.memory_space<hbm>>) dst(%dma_wait3A_387 : memref<128x24xf32, #tpu.memory_space<vmem>>)
    %dma_wait3A_393 = arith.constant 1152 : i32
    %dma_wait3A_394 = arith.constant 0 : i32
    %dma_wait3A_395 = tpu.memref_slice %arg6[%dma_wait3A_393, %dma_wait3A_394] : memref<5000x24xf32, #tpu.memory_space<vmem>> -> memref<128x24xf32, #tpu.memory_space<vmem>>
    %dma_wait3A_396 = arith.constant 1152 : i32
    %dma_wait3A_397 = tpu.memref_slice %arg5[%dma_wait3A_396] : memref<5000xi32, #tpu.memory_space<vmem>> -> memref<128xi32, #tpu.memory_space<vmem>>
    %dma_wait3A_398 = arith.constant 0 : i32
    %dma_wait3A_399 = arith.constant 0 : i32
    %dma_wait3A_400 = tpu.memref_slice %arg2[%dma_wait3A_398, %dma_wait3A_399] : memref<10000x24xf32, #tpu.memory_space<hbm>> -> memref<10000x24xf32, #tpu.memory_space<hbm>>
    tpu.wait_indirect_dma semaphore(%arg7 : memref<!tpu.dma_semaphore, #tpu.memory_space<semaphore_mem>>) src(%dma_wait3A_400 : memref<10000x24xf32, #tpu.memory_space<hbm>>) dst(%dma_wait3A_395 : memref<128x24xf32, #tpu.memory_space<vmem>>)
    %dma_wait3A_401 = arith.constant 1280 : i32
    %dma_wait3A_402 = arith.constant 0 : i32
    %dma_wait3A_403 = tpu.memref_slice %arg6[%dma_wait3A_401, %dma_wait3A_402] : memref<5000x24xf32, #tpu.memory_space<vmem>> -> memref<128x24xf32, #tpu.memory_space<vmem>>
    %dma_wait3A_404 = arith.constant 1280 : i32
    %dma_wait3A_405 = tpu.memref_slice %arg5[%dma_wait3A_404] : memref<5000xi32, #tpu.memory_space<vmem>> -> memref<128xi32, #tpu.memory_space<vmem>>
    %dma_wait3A_406 = arith.constant 0 : i32
    %dma_wait3A_407 = arith.constant 0 : i32
    %dma_wait3A_408 = tpu.memref_slice %arg2[%dma_wait3A_406, %dma_wait3A_407] : memref<10000x24xf32, #tpu.memory_space<hbm>> -> memref<10000x24xf32, #tpu.memory_space<hbm>>
    tpu.wait_indirect_dma semaphore(%arg7 : memref<!tpu.dma_semaphore, #tpu.memory_space<semaphore_mem>>) src(%dma_wait3A_408 : memref<10000x24xf32, #tpu.memory_space<hbm>>) dst(%dma_wait3A_403 : memref<128x24xf32, #tpu.memory_space<vmem>>)
    %dma_wait3A_409 = arith.constant 1408 : i32
    %dma_wait3A_410 = arith.constant 0 : i32
    %dma_wait3A_411 = tpu.memref_slice %arg6[%dma_wait3A_409, %dma_wait3A_410] : memref<5000x24xf32, #tpu.memory_space<vmem>> -> memref<128x24xf32, #tpu.memory_space<vmem>>
    %dma_wait3A_412 = arith.constant 1408 : i32
    %dma_wait3A_413 = tpu.memref_slice %arg5[%dma_wait3A_412] : memref<5000xi32, #tpu.memory_space<vmem>> -> memref<128xi32, #tpu.memory_space<vmem>>
    %dma_wait3A_414 = arith.constant 0 : i32
    %dma_wait3A_415 = arith.constant 0 : i32
    %dma_wait3A_416 = tpu.memref_slice %arg2[%dma_wait3A_414, %dma_wait3A_415] : memref<10000x24xf32, #tpu.memory_space<hbm>> -> memref<10000x24xf32, #tpu.memory_space<hbm>>
    tpu.wait_indirect_dma semaphore(%arg7 : memref<!tpu.dma_semaphore, #tpu.memory_space<semaphore_mem>>) src(%dma_wait3A_416 : memref<10000x24xf32, #tpu.memory_space<hbm>>) dst(%dma_wait3A_411 : memref<128x24xf32, #tpu.memory_space<vmem>>)
    %dma_wait3A_417 = arith.constant 1536 : i32
    %dma_wait3A_418 = arith.constant 0 : i32
    %dma_wait3A_419 = tpu.memref_slice %arg6[%dma_wait3A_417, %dma_wait3A_418] : memref<5000x24xf32, #tpu.memory_space<vmem>> -> memref<128x24xf32, #tpu.memory_space<vmem>>
    %dma_wait3A_420 = arith.constant 1536 : i32
    %dma_wait3A_421 = tpu.memref_slice %arg5[%dma_wait3A_420] : memref<5000xi32, #tpu.memory_space<vmem>> -> memref<128xi32, #tpu.memory_space<vmem>>
    %dma_wait3A_422 = arith.constant 0 : i32
    %dma_wait3A_423 = arith.constant 0 : i32
    %dma_wait3A_424 = tpu.memref_slice %arg2[%dma_wait3A_422, %dma_wait3A_423] : memref<10000x24xf32, #tpu.memory_space<hbm>> -> memref<10000x24xf32, #tpu.memory_space<hbm>>
    tpu.wait_indirect_dma semaphore(%arg7 : memref<!tpu.dma_semaphore, #tpu.memory_space<semaphore_mem>>) src(%dma_wait3A_424 : memref<10000x24xf32, #tpu.memory_space<hbm>>) dst(%dma_wait3A_419 : memref<128x24xf32, #tpu.memory_space<vmem>>)
    %dma_wait3A_425 = arith.constant 1664 : i32
    %dma_wait3A_426 = arith.constant 0 : i32
    %dma_wait3A_427 = tpu.memref_slice %arg6[%dma_wait3A_425, %dma_wait3A_426] : memref<5000x24xf32, #tpu.memory_space<vmem>> -> memref<128x24xf32, #tpu.memory_space<vmem>>
    %dma_wait3A_428 = arith.constant 1664 : i32
    %dma_wait3A_429 = tpu.memref_slice %arg5[%dma_wait3A_428] : memref<5000xi32, #tpu.memory_space<vmem>> -> memref<128xi32, #tpu.memory_space<vmem>>
    %dma_wait3A_430 = arith.constant 0 : i32
    %dma_wait3A_431 = arith.constant 0 : i32
    %dma_wait3A_432 = tpu.memref_slice %arg2[%dma_wait3A_430, %dma_wait3A_431] : memref<10000x24xf32, #tpu.memory_space<hbm>> -> memref<10000x24xf32, #tpu.memory_space<hbm>>
    tpu.wait_indirect_dma semaphore(%arg7 : memref<!tpu.dma_semaphore, #tpu.memory_space<semaphore_mem>>) src(%dma_wait3A_432 : memref<10000x24xf32, #tpu.memory_space<hbm>>) dst(%dma_wait3A_427 : memref<128x24xf32, #tpu.memory_space<vmem>>)
    %dma_wait3A_433 = arith.constant 1792 : i32
    %dma_wait3A_434 = arith.constant 0 : i32
    %dma_wait3A_435 = tpu.memref_slice %arg6[%dma_wait3A_433, %dma_wait3A_434] : memref<5000x24xf32, #tpu.memory_space<vmem>> -> memref<128x24xf32, #tpu.memory_space<vmem>>
    %dma_wait3A_436 = arith.constant 1792 : i32
    %dma_wait3A_437 = tpu.memref_slice %arg5[%dma_wait3A_436] : memref<5000xi32, #tpu.memory_space<vmem>> -> memref<128xi32, #tpu.memory_space<vmem>>
    %dma_wait3A_438 = arith.constant 0 : i32
    %dma_wait3A_439 = arith.constant 0 : i32
    %dma_wait3A_440 = tpu.memref_slice %arg2[%dma_wait3A_438, %dma_wait3A_439] : memref<10000x24xf32, #tpu.memory_space<hbm>> -> memref<10000x24xf32, #tpu.memory_space<hbm>>
    tpu.wait_indirect_dma semaphore(%arg7 : memref<!tpu.dma_semaphore, #tpu.memory_space<semaphore_mem>>) src(%dma_wait3A_440 : memref<10000x24xf32, #tpu.memory_space<hbm>>) dst(%dma_wait3A_435 : memref<128x24xf32, #tpu.memory_space<vmem>>)
    %dma_wait3A_441 = arith.constant 1920 : i32
    %dma_wait3A_442 = arith.constant 0 : i32
    %dma_wait3A_443 = tpu.memref_slice %arg6[%dma_wait3A_441, %dma_wait3A_442] : memref<5000x24xf32, #tpu.memory_space<vmem>> -> memref<128x24xf32, #tpu.memory_space<vmem>>
    %dma_wait3A_444 = arith.constant 1920 : i32
    %dma_wait3A_445 = tpu.memref_slice %arg5[%dma_wait3A_444] : memref<5000xi32, #tpu.memory_space<vmem>> -> memref<128xi32, #tpu.memory_space<vmem>>
    %dma_wait3A_446 = arith.constant 0 : i32
    %dma_wait3A_447 = arith.constant 0 : i32
    %dma_wait3A_448 = tpu.memref_slice %arg2[%dma_wait3A_446, %dma_wait3A_447] : memref<10000x24xf32, #tpu.memory_space<hbm>> -> memref<10000x24xf32, #tpu.memory_space<hbm>>
    tpu.wait_indirect_dma semaphore(%arg7 : memref<!tpu.dma_semaphore, #tpu.memory_space<semaphore_mem>>) src(%dma_wait3A_448 : memref<10000x24xf32, #tpu.memory_space<hbm>>) dst(%dma_wait3A_443 : memref<128x24xf32, #tpu.memory_space<vmem>>)
    %dma_wait3A_449 = arith.constant 2048 : i32
    %dma_wait3A_450 = arith.constant 0 : i32
    %dma_wait3A_451 = tpu.memref_slice %arg6[%dma_wait3A_449, %dma_wait3A_450] : memref<5000x24xf32, #tpu.memory_space<vmem>> -> memref<128x24xf32, #tpu.memory_space<vmem>>
    %dma_wait3A_452 = arith.constant 2048 : i32
    %dma_wait3A_453 = tpu.memref_slice %arg5[%dma_wait3A_452] : memref<5000xi32, #tpu.memory_space<vmem>> -> memref<128xi32, #tpu.memory_space<vmem>>
    %dma_wait3A_454 = arith.constant 0 : i32
    %dma_wait3A_455 = arith.constant 0 : i32
    %dma_wait3A_456 = tpu.memref_slice %arg2[%dma_wait3A_454, %dma_wait3A_455] : memref<10000x24xf32, #tpu.memory_space<hbm>> -> memref<10000x24xf32, #tpu.memory_space<hbm>>
    tpu.wait_indirect_dma semaphore(%arg7 : memref<!tpu.dma_semaphore, #tpu.memory_space<semaphore_mem>>) src(%dma_wait3A_456 : memref<10000x24xf32, #tpu.memory_space<hbm>>) dst(%dma_wait3A_451 : memref<128x24xf32, #tpu.memory_space<vmem>>)
    %dma_wait3A_457 = arith.constant 2176 : i32
    %dma_wait3A_458 = arith.constant 0 : i32
    %dma_wait3A_459 = tpu.memref_slice %arg6[%dma_wait3A_457, %dma_wait3A_458] : memref<5000x24xf32, #tpu.memory_space<vmem>> -> memref<128x24xf32, #tpu.memory_space<vmem>>
    %dma_wait3A_460 = arith.constant 2176 : i32
    %dma_wait3A_461 = tpu.memref_slice %arg5[%dma_wait3A_460] : memref<5000xi32, #tpu.memory_space<vmem>> -> memref<128xi32, #tpu.memory_space<vmem>>
    %dma_wait3A_462 = arith.constant 0 : i32
    %dma_wait3A_463 = arith.constant 0 : i32
    %dma_wait3A_464 = tpu.memref_slice %arg2[%dma_wait3A_462, %dma_wait3A_463] : memref<10000x24xf32, #tpu.memory_space<hbm>> -> memref<10000x24xf32, #tpu.memory_space<hbm>>
    tpu.wait_indirect_dma semaphore(%arg7 : memref<!tpu.dma_semaphore, #tpu.memory_space<semaphore_mem>>) src(%dma_wait3A_464 : memref<10000x24xf32, #tpu.memory_space<hbm>>) dst(%dma_wait3A_459 : memref<128x24xf32, #tpu.memory_space<vmem>>)
    %dma_wait3A_465 = arith.constant 2304 : i32
    %dma_wait3A_466 = arith.constant 0 : i32
    %dma_wait3A_467 = tpu.memref_slice %arg6[%dma_wait3A_465, %dma_wait3A_466] : memref<5000x24xf32, #tpu.memory_space<vmem>> -> memref<128x24xf32, #tpu.memory_space<vmem>>
    %dma_wait3A_468 = arith.constant 2304 : i32
    %dma_wait3A_469 = tpu.memref_slice %arg5[%dma_wait3A_468] : memref<5000xi32, #tpu.memory_space<vmem>> -> memref<128xi32, #tpu.memory_space<vmem>>
    %dma_wait3A_470 = arith.constant 0 : i32
    %dma_wait3A_471 = arith.constant 0 : i32
    %dma_wait3A_472 = tpu.memref_slice %arg2[%dma_wait3A_470, %dma_wait3A_471] : memref<10000x24xf32, #tpu.memory_space<hbm>> -> memref<10000x24xf32, #tpu.memory_space<hbm>>
    tpu.wait_indirect_dma semaphore(%arg7 : memref<!tpu.dma_semaphore, #tpu.memory_space<semaphore_mem>>) src(%dma_wait3A_472 : memref<10000x24xf32, #tpu.memory_space<hbm>>) dst(%dma_wait3A_467 : memref<128x24xf32, #tpu.memory_space<vmem>>)
    %dma_wait3A_473 = arith.constant 2432 : i32
    %dma_wait3A_474 = arith.constant 0 : i32
    %dma_wait3A_475 = tpu.memref_slice %arg6[%dma_wait3A_473, %dma_wait3A_474] : memref<5000x24xf32, #tpu.memory_space<vmem>> -> memref<128x24xf32, #tpu.memory_space<vmem>>
    %dma_wait3A_476 = arith.constant 2432 : i32
    %dma_wait3A_477 = tpu.memref_slice %arg5[%dma_wait3A_476] : memref<5000xi32, #tpu.memory_space<vmem>> -> memref<128xi32, #tpu.memory_space<vmem>>
    %dma_wait3A_478 = arith.constant 0 : i32
    %dma_wait3A_479 = arith.constant 0 : i32
    %dma_wait3A_480 = tpu.memref_slice %arg2[%dma_wait3A_478, %dma_wait3A_479] : memref<10000x24xf32, #tpu.memory_space<hbm>> -> memref<10000x24xf32, #tpu.memory_space<hbm>>
    tpu.wait_indirect_dma semaphore(%arg7 : memref<!tpu.dma_semaphore, #tpu.memory_space<semaphore_mem>>) src(%dma_wait3A_480 : memref<10000x24xf32, #tpu.memory_space<hbm>>) dst(%dma_wait3A_475 : memref<128x24xf32, #tpu.memory_space<vmem>>)
    %dma_wait3A_481 = arith.constant 2560 : i32
    %dma_wait3A_482 = arith.constant 0 : i32
    %dma_wait3A_483 = tpu.memref_slice %arg6[%dma_wait3A_481, %dma_wait3A_482] : memref<5000x24xf32, #tpu.memory_space<vmem>> -> memref<128x24xf32, #tpu.memory_space<vmem>>
    %dma_wait3A_484 = arith.constant 2560 : i32
    %dma_wait3A_485 = tpu.memref_slice %arg5[%dma_wait3A_484] : memref<5000xi32, #tpu.memory_space<vmem>> -> memref<128xi32, #tpu.memory_space<vmem>>
    %dma_wait3A_486 = arith.constant 0 : i32
    %dma_wait3A_487 = arith.constant 0 : i32
    %dma_wait3A_488 = tpu.memref_slice %arg2[%dma_wait3A_486, %dma_wait3A_487] : memref<10000x24xf32, #tpu.memory_space<hbm>> -> memref<10000x24xf32, #tpu.memory_space<hbm>>
    tpu.wait_indirect_dma semaphore(%arg7 : memref<!tpu.dma_semaphore, #tpu.memory_space<semaphore_mem>>) src(%dma_wait3A_488 : memref<10000x24xf32, #tpu.memory_space<hbm>>) dst(%dma_wait3A_483 : memref<128x24xf32, #tpu.memory_space<vmem>>)
    %dma_wait3A_489 = arith.constant 2688 : i32
    %dma_wait3A_490 = arith.constant 0 : i32
    %dma_wait3A_491 = tpu.memref_slice %arg6[%dma_wait3A_489, %dma_wait3A_490] : memref<5000x24xf32, #tpu.memory_space<vmem>> -> memref<128x24xf32, #tpu.memory_space<vmem>>
    %dma_wait3A_492 = arith.constant 2688 : i32
    %dma_wait3A_493 = tpu.memref_slice %arg5[%dma_wait3A_492] : memref<5000xi32, #tpu.memory_space<vmem>> -> memref<128xi32, #tpu.memory_space<vmem>>
    %dma_wait3A_494 = arith.constant 0 : i32
    %dma_wait3A_495 = arith.constant 0 : i32
    %dma_wait3A_496 = tpu.memref_slice %arg2[%dma_wait3A_494, %dma_wait3A_495] : memref<10000x24xf32, #tpu.memory_space<hbm>> -> memref<10000x24xf32, #tpu.memory_space<hbm>>
    tpu.wait_indirect_dma semaphore(%arg7 : memref<!tpu.dma_semaphore, #tpu.memory_space<semaphore_mem>>) src(%dma_wait3A_496 : memref<10000x24xf32, #tpu.memory_space<hbm>>) dst(%dma_wait3A_491 : memref<128x24xf32, #tpu.memory_space<vmem>>)
    %dma_wait3A_497 = arith.constant 2816 : i32
    %dma_wait3A_498 = arith.constant 0 : i32
    %dma_wait3A_499 = tpu.memref_slice %arg6[%dma_wait3A_497, %dma_wait3A_498] : memref<5000x24xf32, #tpu.memory_space<vmem>> -> memref<128x24xf32, #tpu.memory_space<vmem>>
    %dma_wait3A_500 = arith.constant 2816 : i32
    %dma_wait3A_501 = tpu.memref_slice %arg5[%dma_wait3A_500] : memref<5000xi32, #tpu.memory_space<vmem>> -> memref<128xi32, #tpu.memory_space<vmem>>
    %dma_wait3A_502 = arith.constant 0 : i32
    %dma_wait3A_503 = arith.constant 0 : i32
    %dma_wait3A_504 = tpu.memref_slice %arg2[%dma_wait3A_502, %dma_wait3A_503] : memref<10000x24xf32, #tpu.memory_space<hbm>> -> memref<10000x24xf32, #tpu.memory_space<hbm>>
    tpu.wait_indirect_dma semaphore(%arg7 : memref<!tpu.dma_semaphore, #tpu.memory_space<semaphore_mem>>) src(%dma_wait3A_504 : memref<10000x24xf32, #tpu.memory_space<hbm>>) dst(%dma_wait3A_499 : memref<128x24xf32, #tpu.memory_space<vmem>>)
    %dma_wait3A_505 = arith.constant 2944 : i32
    %dma_wait3A_506 = arith.constant 0 : i32
    %dma_wait3A_507 = tpu.memref_slice %arg6[%dma_wait3A_505, %dma_wait3A_506] : memref<5000x24xf32, #tpu.memory_space<vmem>> -> memref<128x24xf32, #tpu.memory_space<vmem>>
    %dma_wait3A_508 = arith.constant 2944 : i32
    %dma_wait3A_509 = tpu.memref_slice %arg5[%dma_wait3A_508] : memref<5000xi32, #tpu.memory_space<vmem>> -> memref<128xi32, #tpu.memory_space<vmem>>
    %dma_wait3A_510 = arith.constant 0 : i32
    %dma_wait3A_511 = arith.constant 0 : i32
    %dma_wait3A_512 = tpu.memref_slice %arg2[%dma_wait3A_510, %dma_wait3A_511] : memref<10000x24xf32, #tpu.memory_space<hbm>> -> memref<10000x24xf32, #tpu.memory_space<hbm>>
    tpu.wait_indirect_dma semaphore(%arg7 : memref<!tpu.dma_semaphore, #tpu.memory_space<semaphore_mem>>) src(%dma_wait3A_512 : memref<10000x24xf32, #tpu.memory_space<hbm>>) dst(%dma_wait3A_507 : memref<128x24xf32, #tpu.memory_space<vmem>>)
    %dma_wait3A_513 = arith.constant 3072 : i32
    %dma_wait3A_514 = arith.constant 0 : i32
    %dma_wait3A_515 = tpu.memref_slice %arg6[%dma_wait3A_513, %dma_wait3A_514] : memref<5000x24xf32, #tpu.memory_space<vmem>> -> memref<128x24xf32, #tpu.memory_space<vmem>>
    %dma_wait3A_516 = arith.constant 3072 : i32
    %dma_wait3A_517 = tpu.memref_slice %arg5[%dma_wait3A_516] : memref<5000xi32, #tpu.memory_space<vmem>> -> memref<128xi32, #tpu.memory_space<vmem>>
    %dma_wait3A_518 = arith.constant 0 : i32
    %dma_wait3A_519 = arith.constant 0 : i32
    %dma_wait3A_520 = tpu.memref_slice %arg2[%dma_wait3A_518, %dma_wait3A_519] : memref<10000x24xf32, #tpu.memory_space<hbm>> -> memref<10000x24xf32, #tpu.memory_space<hbm>>
    tpu.wait_indirect_dma semaphore(%arg7 : memref<!tpu.dma_semaphore, #tpu.memory_space<semaphore_mem>>) src(%dma_wait3A_520 : memref<10000x24xf32, #tpu.memory_space<hbm>>) dst(%dma_wait3A_515 : memref<128x24xf32, #tpu.memory_space<vmem>>)
    %dma_wait3A_521 = arith.constant 3200 : i32
    %dma_wait3A_522 = arith.constant 0 : i32
    %dma_wait3A_523 = tpu.memref_slice %arg6[%dma_wait3A_521, %dma_wait3A_522] : memref<5000x24xf32, #tpu.memory_space<vmem>> -> memref<128x24xf32, #tpu.memory_space<vmem>>
    %dma_wait3A_524 = arith.constant 3200 : i32
    %dma_wait3A_525 = tpu.memref_slice %arg5[%dma_wait3A_524] : memref<5000xi32, #tpu.memory_space<vmem>> -> memref<128xi32, #tpu.memory_space<vmem>>
    %dma_wait3A_526 = arith.constant 0 : i32
    %dma_wait3A_527 = arith.constant 0 : i32
    %dma_wait3A_528 = tpu.memref_slice %arg2[%dma_wait3A_526, %dma_wait3A_527] : memref<10000x24xf32, #tpu.memory_space<hbm>> -> memref<10000x24xf32, #tpu.memory_space<hbm>>
    tpu.wait_indirect_dma semaphore(%arg7 : memref<!tpu.dma_semaphore, #tpu.memory_space<semaphore_mem>>) src(%dma_wait3A_528 : memref<10000x24xf32, #tpu.memory_space<hbm>>) dst(%dma_wait3A_523 : memref<128x24xf32, #tpu.memory_space<vmem>>)
    %dma_wait3A_529 = arith.constant 3328 : i32
    %dma_wait3A_530 = arith.constant 0 : i32
    %dma_wait3A_531 = tpu.memref_slice %arg6[%dma_wait3A_529, %dma_wait3A_530] : memref<5000x24xf32, #tpu.memory_space<vmem>> -> memref<128x24xf32, #tpu.memory_space<vmem>>
    %dma_wait3A_532 = arith.constant 3328 : i32
    %dma_wait3A_533 = tpu.memref_slice %arg5[%dma_wait3A_532] : memref<5000xi32, #tpu.memory_space<vmem>> -> memref<128xi32, #tpu.memory_space<vmem>>
    %dma_wait3A_534 = arith.constant 0 : i32
    %dma_wait3A_535 = arith.constant 0 : i32
    %dma_wait3A_536 = tpu.memref_slice %arg2[%dma_wait3A_534, %dma_wait3A_535] : memref<10000x24xf32, #tpu.memory_space<hbm>> -> memref<10000x24xf32, #tpu.memory_space<hbm>>
    tpu.wait_indirect_dma semaphore(%arg7 : memref<!tpu.dma_semaphore, #tpu.memory_space<semaphore_mem>>) src(%dma_wait3A_536 : memref<10000x24xf32, #tpu.memory_space<hbm>>) dst(%dma_wait3A_531 : memref<128x24xf32, #tpu.memory_space<vmem>>)
    %dma_wait3A_537 = arith.constant 3456 : i32
    %dma_wait3A_538 = arith.constant 0 : i32
    %dma_wait3A_539 = tpu.memref_slice %arg6[%dma_wait3A_537, %dma_wait3A_538] : memref<5000x24xf32, #tpu.memory_space<vmem>> -> memref<128x24xf32, #tpu.memory_space<vmem>>
    %dma_wait3A_540 = arith.constant 3456 : i32
    %dma_wait3A_541 = tpu.memref_slice %arg5[%dma_wait3A_540] : memref<5000xi32, #tpu.memory_space<vmem>> -> memref<128xi32, #tpu.memory_space<vmem>>
    %dma_wait3A_542 = arith.constant 0 : i32
    %dma_wait3A_543 = arith.constant 0 : i32
    %dma_wait3A_544 = tpu.memref_slice %arg2[%dma_wait3A_542, %dma_wait3A_543] : memref<10000x24xf32, #tpu.memory_space<hbm>> -> memref<10000x24xf32, #tpu.memory_space<hbm>>
    tpu.wait_indirect_dma semaphore(%arg7 : memref<!tpu.dma_semaphore, #tpu.memory_space<semaphore_mem>>) src(%dma_wait3A_544 : memref<10000x24xf32, #tpu.memory_space<hbm>>) dst(%dma_wait3A_539 : memref<128x24xf32, #tpu.memory_space<vmem>>)
    %dma_wait3A_545 = arith.constant 3584 : i32
    %dma_wait3A_546 = arith.constant 0 : i32
    %dma_wait3A_547 = tpu.memref_slice %arg6[%dma_wait3A_545, %dma_wait3A_546] : memref<5000x24xf32, #tpu.memory_space<vmem>> -> memref<128x24xf32, #tpu.memory_space<vmem>>
    %dma_wait3A_548 = arith.constant 3584 : i32
    %dma_wait3A_549 = tpu.memref_slice %arg5[%dma_wait3A_548] : memref<5000xi32, #tpu.memory_space<vmem>> -> memref<128xi32, #tpu.memory_space<vmem>>
    %dma_wait3A_550 = arith.constant 0 : i32
    %dma_wait3A_551 = arith.constant 0 : i32
    %dma_wait3A_552 = tpu.memref_slice %arg2[%dma_wait3A_550, %dma_wait3A_551] : memref<10000x24xf32, #tpu.memory_space<hbm>> -> memref<10000x24xf32, #tpu.memory_space<hbm>>
    tpu.wait_indirect_dma semaphore(%arg7 : memref<!tpu.dma_semaphore, #tpu.memory_space<semaphore_mem>>) src(%dma_wait3A_552 : memref<10000x24xf32, #tpu.memory_space<hbm>>) dst(%dma_wait3A_547 : memref<128x24xf32, #tpu.memory_space<vmem>>)
    %dma_wait3A_553 = arith.constant 3712 : i32
    %dma_wait3A_554 = arith.constant 0 : i32
    %dma_wait3A_555 = tpu.memref_slice %arg6[%dma_wait3A_553, %dma_wait3A_554] : memref<5000x24xf32, #tpu.memory_space<vmem>> -> memref<128x24xf32, #tpu.memory_space<vmem>>
    %dma_wait3A_556 = arith.constant 3712 : i32
    %dma_wait3A_557 = tpu.memref_slice %arg5[%dma_wait3A_556] : memref<5000xi32, #tpu.memory_space<vmem>> -> memref<128xi32, #tpu.memory_space<vmem>>
    %dma_wait3A_558 = arith.constant 0 : i32
    %dma_wait3A_559 = arith.constant 0 : i32
    %dma_wait3A_560 = tpu.memref_slice %arg2[%dma_wait3A_558, %dma_wait3A_559] : memref<10000x24xf32, #tpu.memory_space<hbm>> -> memref<10000x24xf32, #tpu.memory_space<hbm>>
    tpu.wait_indirect_dma semaphore(%arg7 : memref<!tpu.dma_semaphore, #tpu.memory_space<semaphore_mem>>) src(%dma_wait3A_560 : memref<10000x24xf32, #tpu.memory_space<hbm>>) dst(%dma_wait3A_555 : memref<128x24xf32, #tpu.memory_space<vmem>>)
    %dma_wait3A_561 = arith.constant 3840 : i32
    %dma_wait3A_562 = arith.constant 0 : i32
    %dma_wait3A_563 = tpu.memref_slice %arg6[%dma_wait3A_561, %dma_wait3A_562] : memref<5000x24xf32, #tpu.memory_space<vmem>> -> memref<128x24xf32, #tpu.memory_space<vmem>>
    %dma_wait3A_564 = arith.constant 3840 : i32
    %dma_wait3A_565 = tpu.memref_slice %arg5[%dma_wait3A_564] : memref<5000xi32, #tpu.memory_space<vmem>> -> memref<128xi32, #tpu.memory_space<vmem>>
    %dma_wait3A_566 = arith.constant 0 : i32
    %dma_wait3A_567 = arith.constant 0 : i32
    %dma_wait3A_568 = tpu.memref_slice %arg2[%dma_wait3A_566, %dma_wait3A_567] : memref<10000x24xf32, #tpu.memory_space<hbm>> -> memref<10000x24xf32, #tpu.memory_space<hbm>>
    tpu.wait_indirect_dma semaphore(%arg7 : memref<!tpu.dma_semaphore, #tpu.memory_space<semaphore_mem>>) src(%dma_wait3A_568 : memref<10000x24xf32, #tpu.memory_space<hbm>>) dst(%dma_wait3A_563 : memref<128x24xf32, #tpu.memory_space<vmem>>)
    %dma_wait3A_569 = arith.constant 3968 : i32
    %dma_wait3A_570 = arith.constant 0 : i32
    %dma_wait3A_571 = tpu.memref_slice %arg6[%dma_wait3A_569, %dma_wait3A_570] : memref<5000x24xf32, #tpu.memory_space<vmem>> -> memref<128x24xf32, #tpu.memory_space<vmem>>
    %dma_wait3A_572 = arith.constant 3968 : i32
    %dma_wait3A_573 = tpu.memref_slice %arg5[%dma_wait3A_572] : memref<5000xi32, #tpu.memory_space<vmem>> -> memref<128xi32, #tpu.memory_space<vmem>>
    %dma_wait3A_574 = arith.constant 0 : i32
    %dma_wait3A_575 = arith.constant 0 : i32
    %dma_wait3A_576 = tpu.memref_slice %arg2[%dma_wait3A_574, %dma_wait3A_575] : memref<10000x24xf32, #tpu.memory_space<hbm>> -> memref<10000x24xf32, #tpu.memory_space<hbm>>
    tpu.wait_indirect_dma semaphore(%arg7 : memref<!tpu.dma_semaphore, #tpu.memory_space<semaphore_mem>>) src(%dma_wait3A_576 : memref<10000x24xf32, #tpu.memory_space<hbm>>) dst(%dma_wait3A_571 : memref<128x24xf32, #tpu.memory_space<vmem>>)
    %dma_wait3A_577 = arith.constant 4096 : i32
    %dma_wait3A_578 = arith.constant 0 : i32
    %dma_wait3A_579 = tpu.memref_slice %arg6[%dma_wait3A_577, %dma_wait3A_578] : memref<5000x24xf32, #tpu.memory_space<vmem>> -> memref<128x24xf32, #tpu.memory_space<vmem>>
    %dma_wait3A_580 = arith.constant 4096 : i32
    %dma_wait3A_581 = tpu.memref_slice %arg5[%dma_wait3A_580] : memref<5000xi32, #tpu.memory_space<vmem>> -> memref<128xi32, #tpu.memory_space<vmem>>
    %dma_wait3A_582 = arith.constant 0 : i32
    %dma_wait3A_583 = arith.constant 0 : i32
    %dma_wait3A_584 = tpu.memref_slice %arg2[%dma_wait3A_582, %dma_wait3A_583] : memref<10000x24xf32, #tpu.memory_space<hbm>> -> memref<10000x24xf32, #tpu.memory_space<hbm>>
    tpu.wait_indirect_dma semaphore(%arg7 : memref<!tpu.dma_semaphore, #tpu.memory_space<semaphore_mem>>) src(%dma_wait3A_584 : memref<10000x24xf32, #tpu.memory_space<hbm>>) dst(%dma_wait3A_579 : memref<128x24xf32, #tpu.memory_space<vmem>>)
    %dma_wait3A_585 = arith.constant 4224 : i32
    %dma_wait3A_586 = arith.constant 0 : i32
    %dma_wait3A_587 = tpu.memref_slice %arg6[%dma_wait3A_585, %dma_wait3A_586] : memref<5000x24xf32, #tpu.memory_space<vmem>> -> memref<128x24xf32, #tpu.memory_space<vmem>>
    %dma_wait3A_588 = arith.constant 4224 : i32
    %dma_wait3A_589 = tpu.memref_slice %arg5[%dma_wait3A_588] : memref<5000xi32, #tpu.memory_space<vmem>> -> memref<128xi32, #tpu.memory_space<vmem>>
    %dma_wait3A_590 = arith.constant 0 : i32
    %dma_wait3A_591 = arith.constant 0 : i32
    %dma_wait3A_592 = tpu.memref_slice %arg2[%dma_wait3A_590, %dma_wait3A_591] : memref<10000x24xf32, #tpu.memory_space<hbm>> -> memref<10000x24xf32, #tpu.memory_space<hbm>>
    tpu.wait_indirect_dma semaphore(%arg7 : memref<!tpu.dma_semaphore, #tpu.memory_space<semaphore_mem>>) src(%dma_wait3A_592 : memref<10000x24xf32, #tpu.memory_space<hbm>>) dst(%dma_wait3A_587 : memref<128x24xf32, #tpu.memory_space<vmem>>)
    %dma_wait3A_593 = arith.constant 4352 : i32
    %dma_wait3A_594 = arith.constant 0 : i32
    %dma_wait3A_595 = tpu.memref_slice %arg6[%dma_wait3A_593, %dma_wait3A_594] : memref<5000x24xf32, #tpu.memory_space<vmem>> -> memref<128x24xf32, #tpu.memory_space<vmem>>
    %dma_wait3A_596 = arith.constant 4352 : i32
    %dma_wait3A_597 = tpu.memref_slice %arg5[%dma_wait3A_596] : memref<5000xi32, #tpu.memory_space<vmem>> -> memref<128xi32, #tpu.memory_space<vmem>>
    %dma_wait3A_598 = arith.constant 0 : i32
    %dma_wait3A_599 = arith.constant 0 : i32
    %dma_wait3A_600 = tpu.memref_slice %arg2[%dma_wait3A_598, %dma_wait3A_599] : memref<10000x24xf32, #tpu.memory_space<hbm>> -> memref<10000x24xf32, #tpu.memory_space<hbm>>
    tpu.wait_indirect_dma semaphore(%arg7 : memref<!tpu.dma_semaphore, #tpu.memory_space<semaphore_mem>>) src(%dma_wait3A_600 : memref<10000x24xf32, #tpu.memory_space<hbm>>) dst(%dma_wait3A_595 : memref<128x24xf32, #tpu.memory_space<vmem>>)
    %dma_wait3A_601 = arith.constant 4480 : i32
    %dma_wait3A_602 = arith.constant 0 : i32
    %dma_wait3A_603 = tpu.memref_slice %arg6[%dma_wait3A_601, %dma_wait3A_602] : memref<5000x24xf32, #tpu.memory_space<vmem>> -> memref<128x24xf32, #tpu.memory_space<vmem>>
    %dma_wait3A_604 = arith.constant 4480 : i32
    %dma_wait3A_605 = tpu.memref_slice %arg5[%dma_wait3A_604] : memref<5000xi32, #tpu.memory_space<vmem>> -> memref<128xi32, #tpu.memory_space<vmem>>
    %dma_wait3A_606 = arith.constant 0 : i32
    %dma_wait3A_607 = arith.constant 0 : i32
    %dma_wait3A_608 = tpu.memref_slice %arg2[%dma_wait3A_606, %dma_wait3A_607] : memref<10000x24xf32, #tpu.memory_space<hbm>> -> memref<10000x24xf32, #tpu.memory_space<hbm>>
    tpu.wait_indirect_dma semaphore(%arg7 : memref<!tpu.dma_semaphore, #tpu.memory_space<semaphore_mem>>) src(%dma_wait3A_608 : memref<10000x24xf32, #tpu.memory_space<hbm>>) dst(%dma_wait3A_603 : memref<128x24xf32, #tpu.memory_space<vmem>>)
    %dma_wait3A_609 = arith.constant 4608 : i32
    %dma_wait3A_610 = arith.constant 0 : i32
    %dma_wait3A_611 = tpu.memref_slice %arg6[%dma_wait3A_609, %dma_wait3A_610] : memref<5000x24xf32, #tpu.memory_space<vmem>> -> memref<128x24xf32, #tpu.memory_space<vmem>>
    %dma_wait3A_612 = arith.constant 4608 : i32
    %dma_wait3A_613 = tpu.memref_slice %arg5[%dma_wait3A_612] : memref<5000xi32, #tpu.memory_space<vmem>> -> memref<128xi32, #tpu.memory_space<vmem>>
    %dma_wait3A_614 = arith.constant 0 : i32
    %dma_wait3A_615 = arith.constant 0 : i32
    %dma_wait3A_616 = tpu.memref_slice %arg2[%dma_wait3A_614, %dma_wait3A_615] : memref<10000x24xf32, #tpu.memory_space<hbm>> -> memref<10000x24xf32, #tpu.memory_space<hbm>>
    tpu.wait_indirect_dma semaphore(%arg7 : memref<!tpu.dma_semaphore, #tpu.memory_space<semaphore_mem>>) src(%dma_wait3A_616 : memref<10000x24xf32, #tpu.memory_space<hbm>>) dst(%dma_wait3A_611 : memref<128x24xf32, #tpu.memory_space<vmem>>)
    %dma_wait3A_617 = arith.constant 4736 : i32
    %dma_wait3A_618 = arith.constant 0 : i32
    %dma_wait3A_619 = tpu.memref_slice %arg6[%dma_wait3A_617, %dma_wait3A_618] : memref<5000x24xf32, #tpu.memory_space<vmem>> -> memref<128x24xf32, #tpu.memory_space<vmem>>
    %dma_wait3A_620 = arith.constant 4736 : i32
    %dma_wait3A_621 = tpu.memref_slice %arg5[%dma_wait3A_620] : memref<5000xi32, #tpu.memory_space<vmem>> -> memref<128xi32, #tpu.memory_space<vmem>>
    %dma_wait3A_622 = arith.constant 0 : i32
    %dma_wait3A_623 = arith.constant 0 : i32
    %dma_wait3A_624 = tpu.memref_slice %arg2[%dma_wait3A_622, %dma_wait3A_623] : memref<10000x24xf32, #tpu.memory_space<hbm>> -> memref<10000x24xf32, #tpu.memory_space<hbm>>
    tpu.wait_indirect_dma semaphore(%arg7 : memref<!tpu.dma_semaphore, #tpu.memory_space<semaphore_mem>>) src(%dma_wait3A_624 : memref<10000x24xf32, #tpu.memory_space<hbm>>) dst(%dma_wait3A_619 : memref<128x24xf32, #tpu.memory_space<vmem>>)
    %dma_wait3A_625 = arith.constant 4864 : i32
    %dma_wait3A_626 = arith.constant 0 : i32
    %dma_wait3A_627 = tpu.memref_slice %arg6[%dma_wait3A_625, %dma_wait3A_626] : memref<5000x24xf32, #tpu.memory_space<vmem>> -> memref<128x24xf32, #tpu.memory_space<vmem>>
    %dma_wait3A_628 = arith.constant 4864 : i32
    %dma_wait3A_629 = tpu.memref_slice %arg5[%dma_wait3A_628] : memref<5000xi32, #tpu.memory_space<vmem>> -> memref<128xi32, #tpu.memory_space<vmem>>
    %dma_wait3A_630 = arith.constant 0 : i32
    %dma_wait3A_631 = arith.constant 0 : i32
    %dma_wait3A_632 = tpu.memref_slice %arg2[%dma_wait3A_630, %dma_wait3A_631] : memref<10000x24xf32, #tpu.memory_space<hbm>> -> memref<10000x24xf32, #tpu.memory_space<hbm>>
    tpu.wait_indirect_dma semaphore(%arg7 : memref<!tpu.dma_semaphore, #tpu.memory_space<semaphore_mem>>) src(%dma_wait3A_632 : memref<10000x24xf32, #tpu.memory_space<hbm>>) dst(%dma_wait3A_627 : memref<128x24xf32, #tpu.memory_space<vmem>>)
    %dma_wait3A_633 = arith.constant 4992 : i32
    %dma_wait3A_634 = arith.constant 0 : i32
    %dma_wait3A_635 = tpu.memref_slice %arg6[%dma_wait3A_633, %dma_wait3A_634] : memref<5000x24xf32, #tpu.memory_space<vmem>> -> memref<8x24xf32, #tpu.memory_space<vmem>>
    %dma_wait3A_636 = arith.constant 4992 : i32
    %dma_wait3A_637 = tpu.memref_slice %arg5[%dma_wait3A_636] : memref<5000xi32, #tpu.memory_space<vmem>> -> memref<8xi32, #tpu.memory_space<vmem>>
    %dma_wait3A_638 = arith.constant 0 : i32
    %dma_wait3A_639 = arith.constant 0 : i32
    %dma_wait3A_640 = tpu.memref_slice %arg2[%dma_wait3A_638, %dma_wait3A_639] : memref<10000x24xf32, #tpu.memory_space<hbm>> -> memref<10000x24xf32, #tpu.memory_space<hbm>>
    tpu.wait_indirect_dma semaphore(%arg7 : memref<!tpu.dma_semaphore, #tpu.memory_space<semaphore_mem>>) src(%dma_wait3A_640 : memref<10000x24xf32, #tpu.memory_space<hbm>>) dst(%dma_wait3A_635 : memref<8x24xf32, #tpu.memory_space<vmem>>)
    %mul3A_641 = arith.constant 5000 : i32
    %mul3A_642 = arith.muli %add3A, %mul3A_641 : i32
    "tpu.region"() ({
      %run_scoped3A_643 = tpu.sem_alloc : memref<!tpu.dma_semaphore, #tpu.memory_space<semaphore_mem>>
      %dma_start3A_644 = arith.constant 0 : i32
      %dma_start3A_645 = tpu.memref_slice %arg4[%mul3A_642, %dma_start3A_644] : memref<160000x24xf32, #tpu.memory_space<hbm>> -> memref<5000x24xf32, #tpu.memory_space<hbm>>
      %dma_start3A_646 = arith.constant 0 : i32
      %dma_start3A_647 = tpu.memref_slice %arg4[%mul3A_642, %dma_start3A_646] : memref<160000x24xf32, #tpu.memory_space<hbm>> -> memref<5000x24xf32, #tpu.memory_space<hbm>>
      tpu.enqueue_dma source(%arg6 : memref<5000x24xf32, #tpu.memory_space<vmem>>) target(%dma_start3A_647 : memref<5000x24xf32, #tpu.memory_space<hbm>>) target_semaphore(%run_scoped3A_643 : memref<!tpu.dma_semaphore, #tpu.memory_space<semaphore_mem>>)
      %dma_wait3A_648 = arith.constant 0 : i32
      %dma_wait3A_649 = tpu.memref_slice %arg4[%mul3A_642, %dma_wait3A_648] : memref<160000x24xf32, #tpu.memory_space<hbm>> -> memref<5000x24xf32, #tpu.memory_space<hbm>>
      %dma_wait3A_650 = arith.constant 0 : i32
      %dma_wait3A_651 = tpu.memref_slice %arg4[%mul3A_642, %dma_wait3A_650] : memref<160000x24xf32, #tpu.memory_space<hbm>> -> memref<5000x24xf32, #tpu.memory_space<hbm>>
      tpu.wait_dma2 semaphore(%run_scoped3A_643 : memref<!tpu.dma_semaphore, #tpu.memory_space<semaphore_mem>>) src(%arg6 : memref<5000x24xf32, #tpu.memory_space<vmem>>) dst(%dma_wait3A_651 : memref<5000x24xf32, #tpu.memory_space<hbm>>)
      tpu.yield
    }) : () -> ()
    return
  }
}

</mosaic_0001>

<sc_bundles>
// kernel: _gather.3.cloned.1.call-start
scs
__scs_entry_jumppad:
0x0: {  	(pc) =	sbr.rel $0x88, $3  }
0x1: {  	(tag) =	ssettag $0x0;
	lr =	simm.s32 $0x1  }
0x2: {  	[smem:$0x3F9F] =	sst lr;
	_ =	strace $0xD0000000  }
0x3: {  	_ = 	snop  }
0x4: {  	_ = 	snop  }
0x5: {  	_ = 	snop  }
0x6: {  	_ = 	snop  }
0x7: {  	_ = 	snop  }
__scs_overlays_trampoline_lowered:
0x8: {  	[smem:$0x3FAE] =	sst s0  }
0x9: {  	[smem:$0x3FAF] =	sst s1  }
0xa: {  	[smem:$0x3FB0] =	sst s2  }
0xb: {  	[smem:$0x3FB1] =	sst s3  }
0xc: {  	[smem:$0x3FB2] =	sst s4  }
0xd: {  	[smem:$0x3FB3] =	sst s5  }
0xe: {  	[smem:$0x3FB4] =	sst s6  }
0xf: {  	[smem:$0x3FB5] =	sst s7  }
0x10: {  	[smem:$0x3FB6] =	sst s8  }
0x11: {  	[smem:$0x3FB7] =	sst s9;
	s0 =	simm.s32 @!p0 $0x0  }
0x12: {  	s1 =	sld [smem:$0x3F9D];
	s0 =	simm.s32 @p0 $0x1  }
0x13: {  	[smem:$0x3FB8] =	sst s0;
	s0 =	simm.s32 @!p1 $0x0  }
0x14: {  	s2 =	sld [smem:$0x3F9C];
	s0 =	simm.s32 @p1 $0x1  }
0x15: {  	[smem:$0x3FB9] =	sst s0;
	s0 =	simm.s32 @!p2 $0x0  }
0x16: {  	s3 =	sld [smem:$0x3FDB];
	s0 =	simm.s32 @p2 $0x1  }
0x17: {  	s4 =	simm.s32 $0x1BF5;
	[smem:$0x3FBB] =	sst s0  }
0x18: {  	s0 =	sld [smem:$0x3F9E];
	_ =	swait.ge [sflag:s4], $0x0  }
0x19: {  	s7 =	sld [smem:$0x3F9F]  }
0x1a: {  	s8 =	sadd.s32 $0xFFFFE003, lr  }
0x1b: {  	s9 =	sadd.s32 $0xFFFFFEF7, lr;
	s5 =	simm.s32 $0xFFFFFFFF;
	p2 =	slt.u32 s8, $0xFFFFF086  }
0x1c: {  	p1 =	slt.u32 s9, $0xF7A;
	s5 =	simm.s32 @!p2 $0x0  }
0x1d: {  	s5 =	simm.s32 @p1 $0x1;
	p0 =	seq.s32 s7, s2  }
0x1e: {  	s7 =	smul.u32 @!p0 $0xF7A, s2;
	p2 =	seq.s32 @!p0 s5, $0x0  }
0x1f: {  	s9 =	smul.u32 $0xF7A, s1;
	s8 =	simm.s32 @!p0 $0x1BF5;
	p2 =	por !p2, p0  }
0x20: {  	[sflag:s8] =	ssyncset.s32 @!p0 $0xFFFFF086;
	s6 =	sadd.s32 @!p0 s3, s7;
	s7 =	simm.s32 @!p0 $0x108  }
0x21: {  	s3 =	sadd.s32 s3, s9;
	s6 =	sadd.s32 @!p0 $0x88, s6;
	s7 =	simm.s32 @p2 $0x1082  }
0x22: {  	[simem:s7], [sflag:s8] =	dma.local @!p0 [hbm:s6], $0xF7A  }
0x23: {  	s9 =	sor.u32 $0xD0000000, s2;
	s6 =	simm.s32 $0x108;
	_ =	swait.ge @!p0 [sflag:s8], $0x0  }
0x24: {  	s3 =	sadd.s32 $0x88, s3;
	s6 =	simm.s32 @!p1 $0x1082;
	[sflag:s4] =	ssyncset.s32 $0xFFFFF086  }
0x25: {  	[simem:s6], [sflag:s4] =	dma.local [hbm:s3], $0xF7A  }
0x26: {  	[smem:$0x3F9F] =	sst s1;
	(tag) =	ssettag s2;
	_ =	strace s9  }
0x27: {  	s1 =	sld [smem:$0x3FAF]  }
0x28: {  	s2 =	sld [smem:$0x3FB0]  }
0x29: {  	s4 =	sld [smem:$0x3FB2]  }
0x2a: {  	p0 =	seq.s32 s5, $0x0;
	s5 =	sld [smem:$0x3FB3]  }
0x2b: {  	s6 =	sld [smem:$0x3FB4]  }
0x2c: {  	s7 =	sld [smem:$0x3FB5]  }
0x2d: {  	s3 =	simm.s32 $0x108;
	s8 =	sld [smem:$0x3FB6]  }
0x2e: {  	s3 =	simm.s32 @!p0 $0x1082;
	s9 =	sld [smem:$0x3FB7]  }
0x2f: {  	lr =	sadd.s32 s0, s3;
	s0 =	sld [smem:$0x3FAE]  }
0x30: {  	s3 =	sld [smem:$0x3FB1]  }
0x31: {  	[smem:$0x3FBA] =	sst s10  }
0x32: {  	s10 =	sld [smem:$0x3FB8];
	_ =	sdelay $0x3  }
0x33: {  	p0 =	seq.s32 s10, $0x1;
	s10 =	sld [smem:$0x3FBA];
	_ =	sdelay $0x3  }
0x34: {  	[smem:$0x3FBA] =	sst s10  }
0x35: {  	s10 =	sld [smem:$0x3FB9];
	_ =	sdelay $0x3  }
0x36: {  	p1 =	seq.s32 s10, $0x1;
	s10 =	sld [smem:$0x3FBA];
	_ =	sdelay $0x3  }
0x37: {  	[smem:$0x3FBA] =	sst s10  }
0x38: {  	s10 =	sld [smem:$0x3FBB]  }
0x39: {  	_ = 	snop;
	(pc) =	sbr.ind lr, $3  }
0x3a: {  	_ = 	snop  }
0x3b: {  	_ = 	snop  }
0x3c: {  	p2 =	seq.s32 s10, $0x1;
	s10 =	sld [smem:$0x3FBA]  }
0x3d: {  	_ =	shalt  }
0x3e: {  	_ =	shalt  }
0x3f: {  	_ =	shalt  }
0x40: {  	_ =	shalt  }
0x41: {  	_ =	shalt  }
0x42: {  	_ =	shalt  }
0x43: {  	_ =	shalt  }
0x44: {  	_ =	shalt  }
0x45: {  	_ =	shalt  }
0x46: {  	_ =	shalt  }
0x47: {  	_ =	shalt  }
0x48: {  	_ =	shalt  }
0x49: {  	_ =	shalt  }
0x4a: {  	_ =	shalt  }
0x4b: {  	_ =	shalt  }
0x4c: {  	_ =	shalt  }
0x4d: {  	_ =	shalt  }
0x4e: {  	_ =	shalt  }
0x4f: {  	_ =	shalt  }
0x50: {  	_ =	shalt  }
0x51: {  	_ =	shalt  }
0x52: {  	_ =	shalt  }
0x53: {  	_ =	shalt  }
0x54: {  	_ =	shalt  }
0x55: {  	_ =	shalt  }
0x56: {  	_ =	shalt  }
0x57: {  	_ =	shalt  }
0x58: {  	_ =	shalt  }
0x59: {  	_ =	shalt  }
0x5a: {  	_ =	shalt  }
0x5b: {  	_ =	shalt  }
0x5c: {  	_ =	shalt  }
0x5d: {  	_ =	shalt  }
0x5e: {  	_ =	shalt  }
0x5f: {  	_ =	shalt  }
0x60: {  	_ =	shalt  }
0x61: {  	_ =	shalt  }
0x62: {  	_ =	shalt  }
0x63: {  	_ =	shalt  }
0x64: {  	_ =	shalt  }
0x65: {  	_ =	shalt  }
0x66: {  	_ =	shalt  }
0x67: {  	_ =	shalt  }
0x68: {  	_ =	shalt  }
0x69: {  	_ =	shalt  }
0x6a: {  	_ =	shalt  }
0x6b: {  	_ =	shalt  }
0x6c: {  	_ =	shalt  }
0x6d: {  	_ =	shalt  }
0x6e: {  	_ =	shalt  }
0x6f: {  	_ =	shalt  }
0x70: {  	_ =	shalt  }
0x71: {  	_ =	shalt  }
0x72: {  	_ =	shalt  }
0x73: {  	_ =	shalt  }
0x74: {  	_ =	shalt  }
0x75: {  	_ =	shalt  }
0x76: {  	_ =	shalt  }
0x77: {  	_ =	shalt  }
0x78: {  	_ =	shalt  }
0x79: {  	_ =	shalt  }
0x7a: {  	_ =	shalt  }
0x7b: {  	_ =	shalt  }
0x7c: {  	_ =	shalt  }
0x7d: {  	_ =	shalt  }
0x7e: {  	_ =	shalt  }
0x7f: {  	_ =	shalt  }
0x80: {  	_ =	shalt  }
0x81: {  	_ =	shalt  }
0x82: {  	_ =	shalt  }
0x83: {  	_ =	shalt  }
0x84: {  	_ =	shalt  }
0x85: {  	_ =	shalt  }
0x86: {  	_ =	shalt  }
0x87: {  	_ =	shalt  }
.Lfunc_end0:
.L_simem_size_0:
called_computation_lowered:
.L_overlay_start_0:
0x88: {  	s2 =	sld [smem:$0x3FD9]  }
0x89: {  	s3 =	sld [smem:$0x3FFE];
	_ =	sdelay $0x1  }
0x8a: {  	s1 =	srdreg.scid  }
0x8b: {  	s0 =	sand.u32 $0x1, s1  }
0x8c: {  	s17 =	sshll.u32 s0, $0xA;
	s2 =	sadd.s32 s3, s2  }
0x8d: {  	s2 =	sadd.s32 s2, s17  }
0x8e: {  	[smem:$0x3FC6] =	sst s2  }
0x8f: {  	_ = 	snop  }
0x90: {  	s2 =	sld [smem:$0x3FD0];
	(tm) =	ssettm $0x1  }
0x91: {  	s18 =	sld [smem:$0x3FFB];
	_ =	sdelay $0x3  }
0x92: {  	_ =	strace s18  }
0x93: {  	s3 =	sld [smem:$0x3FFC];
	_ =	sdelay $0x3  }
0x94: {  	_ =	strace s3  }
0x95: {  	s3 =	sld [smem:$0x3FFD];
	_ =	sdelay $0x3  }
0x96: {  	_ =	strace s3  }
0x97: {  	_ =	strace $0x8FFFFFFF  }
0x98: {  	s19 =	sld [smem:$0x3FDB];
	_ =	sdelay $0x1  }
0x99: {  	s4 =	simm.s32 $_scs_section_size  }
0x9a: {  	s5 =	simm.s32 $_size__tile_overlayer_lowered;
	s6 =	simm.s32 $_tile_overlayer_lowered  }
0x9b: {  	s22 =	simm.s32 $0x1BFF;
	s21 =	sshll.u32 s6, $0x1;
	s3 =	sadd.s32 s4, s19  }
0x9c: {  	s7 =	simm.s32 $0x0;
	s20 =	sshll.u32 s5, $0x1;
	s5 =	sadd.s32 s21, s3  }
0x9d: {  	[timem:s7], [sflag:s22] =	dma.local [hbm:s5], s20  }
0x9e: {  	_ =	swait.ge [sflag:s22], s20  }
0x9f: {  	s4 =	ssub.s32 $0x0, s20;
	[sflag:s22] =	ssyncset.done $0x0  }
0xa0: {  	[sflag:s22] =	ssyncadd.s32 s4;
	_ =	sdelay $0x1  }
0xa1: {  	s23 =	simm.s32 $0x1B8B  }
0xa2: {  	_ =	swait.ge [sflag:s23], $0x1  }
0xa3: {  	[sflag:s23] =	ssyncset.done $0x0  }
0xa4: {  	s25 =	simm.s32 $0x1B8E;
	s24 =	sld [smem:$0x3FFE];
	[sflag:s23] =	ssyncadd.s32 $0xFFFFFFFF  }
0xa5: {  	s26 =	simm.s32 $execute0_lowered;
	[smem:$0x3FD2] =	sst s25  }
0xa6: {  	s5 =	sshll.u32 s26, $0x1;
	_ =	strace $0x80000046;
	[dreg:$0x1] =	wrdreg $0xFFFFFFFF  }
0xa7: {  	s28 =	simm.s32 $_size_execute0_lowered;
	s3 =	sadd.s32 s3, s5;
	[dreg:$0x0] =	wrdreg $0x0  }
0xa8: {  	s5 =	sshll.u32 s28, $0x1;
	[dreg:$0x2] =	wrdreg s3  }
0xa9: {  	[dreg:$0x3] =	wrdreg s5  }
0xaa: {  	[dreg:$0x4] =	wrdreg $0xC0  }
0xab: {  	_ =	task [dreg:s7], $0x5FFFF  }
0xac: {  	[dreg:$0x1] =	wrdreg $0xFFFFFFFF  }
0xad: {  	[dreg:$0x0] =	wrdreg $0x60  }
0xae: {  	[dreg:$0x2] =	wrdreg s24  }
0xaf: {  	[dreg:$0x3] =	wrdreg s2  }
0xb0: {  	[dreg:$0x4] =	wrdreg $0x9  }
0xb1: {  	_ =	task.clear_ibuf [dreg:s7], $0x5FFFF;
	_ =	strace $0x90000046  }
0xb2: {  	s29 =	simm.s32 $0x9;
	_ =	strace $0x80000048  }
0xb3: {  	_ =	swait.ge [sflag:s29], $0x1  }
0xb4: {  	[sflag:s29] =	ssyncadd.s32 $0xFFFFFFFF  }
0xb5: {  	_ =	strace $0x90000048  }
0xb6: {  	_ =	sfence  }
0xb7: {  	s30 =	sld [smem:$0x0];
	_ =	sdelay $0x2  }
0xb8: {  	s31 =	sshll.u32 s1, $0xD;
	s1 =	sshrl.u32 s1, $0x2  }
0xb9: {  	s3 =	sand.u32 $0x4000, s31;
	s1 =	sadd.s32 s1, s30  }
0xba: {  	s0 =	sor.u32 s3, s0;
	s1 =	sshll.u32 s1, $0x11  }
0xbb: {  	s0 =	sor.u32 s1, s0  }
0xbc: {  	s0 =	sadd.s32 $0x8F2B, s0  }
0xbd: {  	[sflag:s0] =	ssyncadd.remote.s32 $0x1  }
0xbe: {  	_ =	sfence.sel $0xFFFF  }
0xbf: {  	[dreg:$0x0] =	wrdreg $0xFFFFFFFF;
	(pc) =	sbr.abs _section_cstart, $3  }
0xc0: {  	[dreg:$0x1] =	wrdreg $0xFFFFFFFF  }
0xc1: {  	_ =	task.clear_ibuf [dreg:s7], $0x2FFFF;
	_ =	strace $0x9FFFFFFF  }
0xc2: {  	(tm) =	ssettm $0x7FFFFFFF  }
0xc3: {  	_ =	shalt  }
tec
execute0_lowered:
.L_overlay_start_1:
0x0: {  	(tag) =	ssettag $0x1  }
0x1: {  	s0 =	srdreg.scid  }
0x2: {  	s1 =	sand.u32 $0x1, s0  }
0x3: {  	s3 =	stileid.u32;
	s4 =	rddreg [dreg:$0x1];
	s2 =	sshll.u32 s1, $0x4  }
0x4: {  	s0 =	rddreg [dreg:$0x0];
	s3 =	sor.u32 s3, s2;
	s2 =	simm.s32 $0x0  }
0x5: {  	s24 =	simm.s32 $0x1F88;
	[smem:$0x7FF] =	sst s2  }
0x6: {  	s25 =	simm.s32 $0x100;
	_ =	strace $0x80000047;
	[dreg:$0x5] =	wrdreg s24  }
0x7: {  	s26 =	simm.s32 $0x2B88;
	[dreg:$0x6] =	wrdreg s25  }
0x8: {  	s28 =	simm.s32 $0x180;
	[dreg:$0x7] =	wrdreg s26  }
0x9: {  	s29 =	simm.s32 $0x3788;
	[dreg:$0x8] =	wrdreg s28  }
0xa: {  	s30 =	simm.s32 $0x200;
	[dreg:$0x9] =	wrdreg s29  }
0xb: {  	s31 =	simm.s32 $0x4388;
	[dreg:$0xa] =	wrdreg s30  }
0xc: {  	s6 =	simm.s32 $0x300;
	[dreg:$0xb] =	wrdreg s31  }
0xd: {  	s7 =	simm.s32 $0x5B88;
	[dreg:$0xe] =	wrdreg s6  }
0xe: {  	s8 =	simm.s32 $0x380;
	[dreg:$0xf] =	wrdreg s7  }
0xf: {  	s9 =	simm.s32 $0x6788;
	[dreg:$0x10] =	wrdreg s8  }
0x10: {  	s10 =	simm.s32 $0x400;
	[dreg:$0x11] =	wrdreg s9  }
0x11: {  	s11 =	simm.s32 $0x7388;
	[dreg:$0x12] =	wrdreg s10  }
0x12: {  	s12 =	simm.s32 $0x480;
	[dreg:$0x13] =	wrdreg s11  }
0x13: {  	s13 =	simm.s32 $0x7F88;
	[dreg:$0x14] =	wrdreg s12  }
0x14: {  	s14 =	simm.s32 $0x500;
	[dreg:$0x15] =	wrdreg s13  }
0x15: {  	s15 =	simm.s32 $0x8B88;
	[dreg:$0x16] =	wrdreg s14  }
0x16: {  	s16 =	simm.s32 $0x580;
	[dreg:$0x17] =	wrdreg s15  }
0x17: {  	s17 =	simm.s32 $0x9788;
	[dreg:$0x18] =	wrdreg s16  }
0x18: {  	s18 =	simm.s32 $0x600;
	[dreg:$0x19] =	wrdreg s17  }
0x19: {  	s19 =	simm.s32 $0xA388;
	[dreg:$0x1a] =	wrdreg s18  }
0x1a: {  	s20 =	simm.s32 $0x680;
	[dreg:$0x1b] =	wrdreg s19  }
0x1b: {  	s21 =	simm.s32 $0xAF88;
	[dreg:$0x1c] =	wrdreg s20  }
0x1c: {  	s22 =	simm.s32 $0x700;
	[dreg:$0x1d] =	wrdreg s21  }
0x1d: {  	s23 =	simm.s32 $0xBB88;
	[dreg:$0x1e] =	wrdreg s22  }
0x1e: {  	[dreg:$0x1f] =	wrdreg s23;
	s24 =	simm.s32 $0x780  }
0x1f: {  	s25 =	simm.s32 $0xC788;
	[smem:$0x7F0] =	sst s24  }
0x20: {  	s26 =	simm.s32 $0x800;
	[smem:$0x7EF] =	sst s25  }
0x21: {  	s28 =	simm.s32 $0xD388;
	[smem:$0x7F1] =	sst s26  }
0x22: {  	s29 =	simm.s32 $0x880;
	[smem:$0x7EE] =	sst s28  }
0x23: {  	s30 =	simm.s32 $0xDF88;
	[smem:$0x7F2] =	sst s29  }
0x24: {  	s31 =	simm.s32 $0x900;
	[smem:$0x7ED] =	sst s30  }
0x25: {  	s6 =	simm.s32 $0xF788;
	[smem:$0x7F3] =	sst s31  }
0x26: {  	s7 =	simm.s32 $0xA00;
	[smem:$0x7EB] =	sst s6  }
0x27: {  	s8 =	simm.s32 $0x10388;
	[smem:$0x7F5] =	sst s7  }
0x28: {  	s9 =	simm.s32 $0xA80;
	[smem:$0x7EA] =	sst s8  }
0x29: {  	s10 =	simm.s32 $0x10F88;
	[smem:$0x7F6] =	sst s9  }
0x2a: {  	s11 =	simm.s32 $0xB00;
	[smem:$0x7E9] =	sst s10  }
0x2b: {  	s12 =	simm.s32 $0x11B88;
	[smem:$0x7F7] =	sst s11  }
0x2c: {  	s13 =	simm.s32 $0xB80;
	[smem:$0x7E8] =	sst s12  }
0x2d: {  	s14 =	simm.s32 $0x12788;
	[smem:$0x7F8] =	sst s13  }
0x2e: {  	s15 =	simm.s32 $0xC00;
	[smem:$0x7E7] =	sst s14  }
0x2f: {  	s16 =	simm.s32 $0x13388;
	[smem:$0x7F9] =	sst s15  }
0x30: {  	s17 =	simm.s32 $0xC80;
	[smem:$0x7E6] =	sst s16  }
0x31: {  	s18 =	simm.s32 $0x13F88;
	[smem:$0x7FA] =	sst s17  }
0x32: {  	s19 =	simm.s32 $0xD00;
	[smem:$0x7E5] =	sst s18  }
0x33: {  	s20 =	simm.s32 $0x14B88;
	[smem:$0x7FB] =	sst s19  }
0x34: {  	s5 =	smul.u32 $0x271, s3;
	s21 =	simm.s32 $0xD80;
	[smem:$0x7E4] =	sst s20  }
0x35: {  	s3 =	smul.u32 $0x3A98, s3;
	s22 =	simm.s32 $0x15788;
	[smem:$0x7FC] =	sst s21  }
0x36: {  	s23 =	simm.s32 $0xE00;
	[smem:$0x7E3] =	sst s22  }
0x37: {  	s3 =	sadd.s32 s4, s3;
	[smem:$0x7FD] =	sst s23  }
0x38: {  	s4 =	simm.s32 $0x280;
	[dreg:$0x4] =	wrdreg s3  }
0x39: {  	s5 =	sadd.s32 s5, s0;
	s25 =	simm.s32 $0x16388;
	[dreg:$0xc] =	wrdreg s4  }
0x3a: {  	s5 =	sadd.s32 $0x400, s5;
	[smem:$0x7E2] =	sst s25  }
0x3b: {  	s4 =	simm.s32 $0xEB88;
	[dreg:$0x3] =	wrdreg s5  }
0x3c: {  	s5 =	simm.s32 $0x4F88;
	[smem:$0x7EC] =	sst s4  }
0x3d: {  	[dreg:$0xd] =	wrdreg s5  }
0x3e: {  	s5 =	simm.s32 $0x980;
	s24 =	rddreg [dreg:$0x3]  }
0x3f: {  	s26 =	simm.s32 $0x2;
	[smem:$0x7F4] =	sst s5  }
0x40: {  	[tilespmem:s2], [sflag:$0x2] =	stream.linear.gather [hbm4b:s24+s2], $0x1388, $0x38;
	[tilespmem:$0x1E848] =	vst v63  }
0x41: {  	_ =	swait.ge [sflag:s26], $0x1388  }
0x42: {  	s7 =	sld [smem:$0x7E2]  }
0x43: {  	s8 =	sld [smem:$0x7E3]  }
0x44: {  	s9 =	sld [smem:$0x7E4]  }
0x45: {  	s10 =	sld [smem:$0x7E5]  }
0x46: {  	s11 =	sld [smem:$0x7E6]  }
0x47: {  	s12 =	sld [smem:$0x7E7]  }
0x48: {  	s13 =	sld [smem:$0x7E8]  }
0x49: {  	s14 =	sld [smem:$0x7E9]  }
0x4a: {  	s15 =	sld [smem:$0x7EA]  }
0x4b: {  	s16 =	sld [smem:$0x7EB]  }
0x4c: {  	s17 =	sld [smem:$0x7EC]  }
0x4d: {  	s18 =	sld [smem:$0x7ED]  }
0x4e: {  	s19 =	sld [smem:$0x7EE]  }
0x4f: {  	s20 =	sld [smem:$0x7EF]  }
0x50: {  	s28 =	rddreg [dreg:$0x6]  }
0x51: {  	s21 =	rddreg [dreg:$0x5]  }
0x52: {  	s22 =	rddreg [dreg:$0x7]  }
0x53: {  	s23 =	rddreg [dreg:$0x9]  }
0x54: {  	s30 =	rddreg [dreg:$0x8]  }
0x55: {  	s31 =	rddreg [dreg:$0xb]  }
0x56: {  	s3 =	rddreg [dreg:$0xd]  }
0x57: {  	s4 =	rddreg [dreg:$0xc]  }
0x58: {  	s6 =	simm.s32 $0x80;
	s24 =	rddreg [dreg:$0xf]  }
0x59: {  	s29 =	simm.s32 $0x1388;
	[sflag:s26] =	ssyncset.done $0x0;
	s25 =	rddreg [dreg:$0xe]  }
0x5a: {  	s5 =	sadd.s32 $0xA200, s0;
	[sflag:s26] =	ssyncadd.s32 $0xFFFFEC78;
	s26 =	rddreg [dreg:$0x11]  }
0x5b: {  	[tilespmem:s29], [sflag:$0x1] =	stream.indirect.gather [hbm4b:s5+s6], $0x18, s2, s6, $0xb8;
	[tilespmem:$0x1E848] =	vst v63  }
0x5c: {  	s2 =	rddreg [dreg:$0xa]  }
0x5d: {  	[tilespmem:s21], [sflag:$0x1] =	stream.indirect.gather [hbm4b:s5+s6], $0x18, s6, s6, $0xb8;
	[tilespmem:$0x1E848] =	vst v63  }
0x5e: {  	s29 =	rddreg [dreg:$0x13]  }
0x5f: {  	[tilespmem:s22], [sflag:$0x1] =	stream.indirect.gather [hbm4b:s5+s6], $0x18, s28, s6, $0xb8;
	[tilespmem:$0x1E848] =	vst v63  }
0x60: {  	s28 =	rddreg [dreg:$0x10]  }
0x61: {  	[tilespmem:s23], [sflag:$0x1] =	stream.indirect.gather [hbm4b:s5+s6], $0x18, s30, s6, $0xb8;
	[tilespmem:$0x1E848] =	vst v63  }
0x62: {  	s30 =	rddreg [dreg:$0x12]  }
0x63: {  	[tilespmem:s31], [sflag:$0x1] =	stream.indirect.gather [hbm4b:s5+s6], $0x18, s2, s6, $0xb8;
	[tilespmem:$0x1E848] =	vst v63  }
0x64: {  	s31 =	rddreg [dreg:$0x15]  }
0x65: {  	s2 =	rddreg [dreg:$0x14]  }
0x66: {  	[tilespmem:s3], [sflag:$0x1] =	stream.indirect.gather [hbm4b:s5+s6], $0x18, s4, s6, $0xb8;
	[tilespmem:$0x1E848] =	vst v63  }
0x67: {  	s3 =	rddreg [dreg:$0x17]  }
0x68: {  	s4 =	rddreg [dreg:$0x16]  }
0x69: {  	[tilespmem:s24], [sflag:$0x1] =	stream.indirect.gather [hbm4b:s5+s6], $0x18, s25, s6, $0xb8;
	[tilespmem:$0x1E848] =	vst v63  }
0x6a: {  	s24 =	rddreg [dreg:$0x19]  }
0x6b: {  	s25 =	rddreg [dreg:$0x18]  }
0x6c: {  	[tilespmem:s26], [sflag:$0x1] =	stream.indirect.gather [hbm4b:s5+s6], $0x18, s28, s6, $0xb8;
	[tilespmem:$0x1E848] =	vst v63  }
0x6d: {  	s26 =	rddreg [dreg:$0x1b]  }
0x6e: {  	[tilespmem:s29], [sflag:$0x1] =	stream.indirect.gather [hbm4b:s5+s6], $0x18, s30, s6, $0xb8;
	[tilespmem:$0x1E848] =	vst v63  }
0x6f: {  	s28 =	rddreg [dreg:$0x1a]  }
0x70: {  	[tilespmem:s31], [sflag:$0x1] =	stream.indirect.gather [hbm4b:s5+s6], $0x18, s2, s6, $0xb8;
	[tilespmem:$0x1E848] =	vst v63  }
0x71: {  	s29 =	rddreg [dreg:$0x1d]  }
0x72: {  	[tilespmem:s3], [sflag:$0x1] =	stream.indirect.gather [hbm4b:s5+s6], $0x18, s4, s6, $0xb8;
	[tilespmem:$0x1E848] =	vst v63  }
0x73: {  	s30 =	rddreg [dreg:$0x1c]  }
0x74: {  	[tilespmem:s24], [sflag:$0x1] =	stream.indirect.gather [hbm4b:s5+s6], $0x18, s25, s6, $0xb8;
	[tilespmem:$0x1E848] =	vst v63  }
0x75: {  	s31 =	rddreg [dreg:$0x1f]  }
0x76: {  	[tilespmem:s26], [sflag:$0x1] =	stream.indirect.gather [hbm4b:s5+s6], $0x18, s28, s6, $0xb8;
	[tilespmem:$0x1E848] =	vst v63  }
0x77: {  	s2 =	rddreg [dreg:$0x1e]  }
0x78: {  	[tilespmem:s29], [sflag:$0x1] =	stream.indirect.gather [hbm4b:s5+s6], $0x18, s30, s6, $0xb8;
	[tilespmem:$0x1E848] =	vst v63  }
0x79: {  	s3 =	sld [smem:$0x7F0]  }
0x7a: {  	[tilespmem:s31], [sflag:$0x1] =	stream.indirect.gather [hbm4b:s5+s6], $0x18, s2, s6, $0xb8;
	[tilespmem:$0x1E848] =	vst v63  }
0x7b: {  	s4 =	sld [smem:$0x7F1]  }
0x7c: {  	[tilespmem:s20], [sflag:$0x1] =	stream.indirect.gather [hbm4b:s5+s6], $0x18, s3, s6, $0xb8;
	[tilespmem:$0x1E848] =	vst v63  }
0x7d: {  	s22 =	sld [smem:$0x7F2]  }
0x7e: {  	[tilespmem:s19], [sflag:$0x1] =	stream.indirect.gather [hbm4b:s5+s6], $0x18, s4, s6, $0xb8;
	[tilespmem:$0x1E848] =	vst v63  }
0x7f: {  	s23 =	sld [smem:$0x7F3]  }
0x80: {  	[tilespmem:s18], [sflag:$0x1] =	stream.indirect.gather [hbm4b:s5+s6], $0x18, s22, s6, $0xb8;
	[tilespmem:$0x1E848] =	vst v63  }
0x81: {  	s24 =	sld [smem:$0x7F4]  }
0x82: {  	[tilespmem:s17], [sflag:$0x1] =	stream.indirect.gather [hbm4b:s5+s6], $0x18, s23, s6, $0xb8;
	[tilespmem:$0x1E848] =	vst v63  }
0x83: {  	s25 =	sld [smem:$0x7F5]  }
0x84: {  	[tilespmem:s16], [sflag:$0x1] =	stream.indirect.gather [hbm4b:s5+s6], $0x18, s24, s6, $0xb8;
	[tilespmem:$0x1E848] =	vst v63  }
0x85: {  	s26 =	sld [smem:$0x7F6]  }
0x86: {  	[tilespmem:s15], [sflag:$0x1] =	stream.indirect.gather [hbm4b:s5+s6], $0x18, s25, s6, $0xb8;
	[tilespmem:$0x1E848] =	vst v63  }
0x87: {  	s28 =	sld [smem:$0x7F7]  }
0x88: {  	[tilespmem:s14], [sflag:$0x1] =	stream.indirect.gather [hbm4b:s5+s6], $0x18, s26, s6, $0xb8;
	[tilespmem:$0x1E848] =	vst v63  }
0x89: {  	s29 =	sld [smem:$0x7F8]  }
0x8a: {  	[tilespmem:s13], [sflag:$0x1] =	stream.indirect.gather [hbm4b:s5+s6], $0x18, s28, s6, $0xb8;
	[tilespmem:$0x1E848] =	vst v63  }
0x8b: {  	s30 =	sld [smem:$0x7F9]  }
0x8c: {  	[tilespmem:s12], [sflag:$0x1] =	stream.indirect.gather [hbm4b:s5+s6], $0x18, s29, s6, $0xb8;
	[tilespmem:$0x1E848] =	vst v63  }
0x8d: {  	s31 =	sld [smem:$0x7FA]  }
0x8e: {  	[tilespmem:s11], [sflag:$0x1] =	stream.indirect.gather [hbm4b:s5+s6], $0x18, s30, s6, $0xb8;
	[tilespmem:$0x1E848] =	vst v63  }
0x8f: {  	s2 =	sld [smem:$0x7FB]  }
0x90: {  	[tilespmem:s10], [sflag:$0x1] =	stream.indirect.gather [hbm4b:s5+s6], $0x18, s31, s6, $0xb8;
	[tilespmem:$0x1E848] =	vst v63  }
0x91: {  	s3 =	sld [smem:$0x7FC]  }
0x92: {  	[tilespmem:s9], [sflag:$0x1] =	stream.indirect.gather [hbm4b:s5+s6], $0x18, s2, s6, $0xb8;
	[tilespmem:$0x1E848] =	vst v63  }
0x93: {  	s4 =	sld [smem:$0x7FD]  }
0x94: {  	[tilespmem:s8], [sflag:$0x1] =	stream.indirect.gather [hbm4b:s5+s6], $0x18, s3, s6, $0xb8;
	[tilespmem:$0x1E848] =	vst v63  }
0x95: {  	_ = 	snop  }
0x96: {  	[tilespmem:s7], [sflag:$0x1] =	stream.indirect.gather [hbm4b:s5+s6], $0x18, s4, s6, $0xb8;
	[tilespmem:$0x1E848] =	vst v63  }
0x97: {  	s8 =	simm.s32 $0x16F88;
	s7 =	simm.s32 $0xE80  }
0x98: {  	[tilespmem:s8], [sflag:$0x1] =	stream.indirect.gather [hbm4b:s5+s6], $0x18, s7, s6, $0xb8;
	[tilespmem:$0x1E848] =	vst v63  }
0x99: {  	s10 =	simm.s32 $0x17B88;
	s9 =	simm.s32 $0xF00  }
0x9a: {  	[tilespmem:s10], [sflag:$0x1] =	stream.indirect.gather [hbm4b:s5+s6], $0x18, s9, s6, $0xb8;
	[tilespmem:$0x1E848] =	vst v63  }
0x9b: {  	s12 =	simm.s32 $0x18788;
	s11 =	simm.s32 $0xF80  }
0x9c: {  	[tilespmem:s12], [sflag:$0x1] =	stream.indirect.gather [hbm4b:s5+s6], $0x18, s11, s6, $0xb8;
	[tilespmem:$0x1E848] =	vst v63  }
0x9d: {  	s14 =	simm.s32 $0x19388;
	s13 =	simm.s32 $0x1000  }
0x9e: {  	[tilespmem:s14], [sflag:$0x1] =	stream.indirect.gather [hbm4b:s5+s6], $0x18, s13, s6, $0xb8;
	[tilespmem:$0x1E848] =	vst v63  }
0x9f: {  	s16 =	simm.s32 $0x19F88;
	s15 =	simm.s32 $0x1080  }
0xa0: {  	[tilespmem:s16], [sflag:$0x1] =	stream.indirect.gather [hbm4b:s5+s6], $0x18, s15, s6, $0xb8;
	[tilespmem:$0x1E848] =	vst v63  }
0xa1: {  	s18 =	simm.s32 $0x1AB88;
	s17 =	simm.s32 $0x1100  }
0xa2: {  	[tilespmem:s18], [sflag:$0x1] =	stream.indirect.gather [hbm4b:s5+s6], $0x18, s17, s6, $0xb8;
	[tilespmem:$0x1E848] =	vst v63  }
0xa3: {  	s20 =	simm.s32 $0x1B788;
	s19 =	simm.s32 $0x1180  }
0xa4: {  	[tilespmem:s20], [sflag:$0x1] =	stream.indirect.gather [hbm4b:s5+s6], $0x18, s19, s6, $0xb8;
	[tilespmem:$0x1E848] =	vst v63  }
0xa5: {  	s21 =	simm.s32 $0x1200;
	s22 =	simm.s32 $0x1C388  }
0xa6: {  	[tilespmem:s22], [sflag:$0x1] =	stream.indirect.gather [hbm4b:s5+s6], $0x18, s21, s6, $0xb8;
	[tilespmem:$0x1E848] =	vst v63  }
0xa7: {  	s23 =	simm.s32 $0x1280;
	s24 =	simm.s32 $0x1CF88  }
0xa8: {  	[tilespmem:s24], [sflag:$0x1] =	stream.indirect.gather [hbm4b:s5+s6], $0x18, s23, s6, $0xb8;
	[tilespmem:$0x1E848] =	vst v63  }
0xa9: {  	s25 =	simm.s32 $0x1300;
	s26 =	simm.s32 $0x1DB88;
	s28 =	simm.s32 $0x8  }
0xaa: {  	[tilespmem:s26], [sflag:$0x1] =	stream.indirect.gather [hbm4b:s5+s6], $0x18, s25, s6, $0xb8;
	[tilespmem:$0x1E848] =	vst v63  }
0xab: {  	s29 =	simm.s32 $0x1380;
	s30 =	simm.s32 $0x1E788;
	s15 =	simm.s32 $0x1  }
0xac: {  	[tilespmem:s30], [sflag:$0x1] =	stream.indirect.gather [hbm4b:s5+s28], $0x18, s29, s28, $0xb8;
	[tilespmem:$0x1E848] =	vst v63  }
0xad: {  	_ =	swait.ge [sflag:s15], $0xC00  }
0xae: {  	[sflag:s15] =	ssyncset.done $0x0  }
0xaf: {  	[sflag:s15] =	ssyncadd.s32 $0xFFFFF400  }
0xb0: {  	_ =	swait.ge [sflag:s15], $0xC00  }
0xb1: {  	[sflag:s15] =	ssyncset.done $0x0  }
0xb2: {  	[sflag:s15] =	ssyncadd.s32 $0xFFFFF400  }
0xb3: {  	_ =	swait.ge [sflag:s15], $0xC00  }
0xb4: {  	[sflag:s15] =	ssyncset.done $0x0  }
0xb5: {  	[sflag:s15] =	ssyncadd.s32 $0xFFFFF400  }
0xb6: {  	_ =	swait.ge [sflag:s15], $0xC00  }
0xb7: {  	[sflag:s15] =	ssyncset.done $0x0  }
0xb8: {  	[sflag:s15] =	ssyncadd.s32 $0xFFFFF400  }
0xb9: {  	_ =	swait.ge [sflag:s15], $0xC00  }
0xba: {  	[sflag:s15] =	ssyncset.done $0x0  }
0xbb: {  	[sflag:s15] =	ssyncadd.s32 $0xFFFFF400  }
0xbc: {  	_ =	swait.ge [sflag:s15], $0xC00  }
0xbd: {  	[sflag:s15] =	ssyncset.done $0x0  }
0xbe: {  	[sflag:s15] =	ssyncadd.s32 $0xFFFFF400  }
0xbf: {  	_ =	swait.ge [sflag:s15], $0xC00  }
0xc0: {  	[sflag:s15] =	ssyncset.done $0x0  }
0xc1: {  	[sflag:s15] =	ssyncadd.s32 $0xFFFFF400  }
0xc2: {  	_ =	swait.ge [sflag:s15], $0xC00  }
0xc3: {  	[sflag:s15] =	ssyncset.done $0x0  }
0xc4: {  	[sflag:s15] =	ssyncadd.s32 $0xFFFFF400  }
0xc5: {  	_ =	swait.ge [sflag:s15], $0xC00  }
0xc6: {  	[sflag:s15] =	ssyncset.done $0x0  }
0xc7: {  	[sflag:s15] =	ssyncadd.s32 $0xFFFFF400  }
0xc8: {  	_ =	swait.ge [sflag:s15], $0xC00  }
0xc9: {  	[sflag:s15] =	ssyncset.done $0x0  }
0xca: {  	[sflag:s15] =	ssyncadd.s32 $0xFFFFF400  }
0xcb: {  	_ =	swait.ge [sflag:s15], $0xC00  }
0xcc: {  	[sflag:s15] =	ssyncset.done $0x0  }
0xcd: {  	[sflag:s15] =	ssyncadd.s32 $0xFFFFF400  }
0xce: {  	_ =	swait.ge [sflag:s15], $0xC00  }
0xcf: {  	[sflag:s15] =	ssyncset.done $0x0  }
0xd0: {  	[sflag:s15] =	ssyncadd.s32 $0xFFFFF400  }
0xd1: {  	_ =	swait.ge [sflag:s15], $0xC00  }
0xd2: {  	[sflag:s15] =	ssyncset.done $0x0  }
0xd3: {  	[sflag:s15] =	ssyncadd.s32 $0xFFFFF400  }
0xd4: {  	_ =	swait.ge [sflag:s15], $0xC00  }
0xd5: {  	[sflag:s15] =	ssyncset.done $0x0  }
0xd6: {  	[sflag:s15] =	ssyncadd.s32 $0xFFFFF400  }
0xd7: {  	_ =	swait.ge [sflag:s15], $0xC00  }
0xd8: {  	[sflag:s15] =	ssyncset.done $0x0  }
0xd9: {  	[sflag:s15] =	ssyncadd.s32 $0xFFFFF400  }
0xda: {  	_ =	swait.ge [sflag:s15], $0xC00  }
0xdb: {  	[sflag:s15] =	ssyncset.done $0x0  }
0xdc: {  	[sflag:s15] =	ssyncadd.s32 $0xFFFFF400  }
0xdd: {  	_ =	swait.ge [sflag:s15], $0xC00  }
0xde: {  	[sflag:s15] =	ssyncset.done $0x0  }
0xdf: {  	[sflag:s15] =	ssyncadd.s32 $0xFFFFF400  }
0xe0: {  	_ =	swait.ge [sflag:s15], $0xC00  }
0xe1: {  	[sflag:s15] =	ssyncset.done $0x0  }
0xe2: {  	[sflag:s15] =	ssyncadd.s32 $0xFFFFF400  }
0xe3: {  	_ =	swait.ge [sflag:s15], $0xC00  }
0xe4: {  	[sflag:s15] =	ssyncset.done $0x0  }
0xe5: {  	[sflag:s15] =	ssyncadd.s32 $0xFFFFF400  }
0xe6: {  	_ =	swait.ge [sflag:s15], $0xC00  }
0xe7: {  	[sflag:s15] =	ssyncset.done $0x0  }
0xe8: {  	[sflag:s15] =	ssyncadd.s32 $0xFFFFF400  }
0xe9: {  	_ =	swait.ge [sflag:s15], $0xC00  }
0xea: {  	[sflag:s15] =	ssyncset.done $0x0  }
0xeb: {  	[sflag:s15] =	ssyncadd.s32 $0xFFFFF400  }
0xec: {  	_ =	swait.ge [sflag:s15], $0xC00  }
0xed: {  	[sflag:s15] =	ssyncset.done $0x0  }
0xee: {  	[sflag:s15] =	ssyncadd.s32 $0xFFFFF400  }
0xef: {  	_ =	swait.ge [sflag:s15], $0xC00  }
0xf0: {  	[sflag:s15] =	ssyncset.done $0x0  }
0xf1: {  	[sflag:s15] =	ssyncadd.s32 $0xFFFFF400  }
0xf2: {  	_ =	swait.ge [sflag:s15], $0xC00  }
0xf3: {  	[sflag:s15] =	ssyncset.done $0x0  }
0xf4: {  	[sflag:s15] =	ssyncadd.s32 $0xFFFFF400  }
0xf5: {  	_ =	swait.ge [sflag:s15], $0xC00  }
0xf6: {  	[sflag:s15] =	ssyncset.done $0x0  }
0xf7: {  	[sflag:s15] =	ssyncadd.s32 $0xFFFFF400  }
0xf8: {  	_ =	swait.ge [sflag:s15], $0xC00  }
0xf9: {  	[sflag:s15] =	ssyncset.done $0x0  }
0xfa: {  	[sflag:s15] =	ssyncadd.s32 $0xFFFFF400  }
0xfb: {  	_ =	swait.ge [sflag:s15], $0xC00  }
0xfc: {  	[sflag:s15] =	ssyncset.done $0x0  }
0xfd: {  	[sflag:s15] =	ssyncadd.s32 $0xFFFFF400  }
0xfe: {  	_ =	swait.ge [sflag:s15], $0xC00  }
0xff: {  	[sflag:s15] =	ssyncset.done $0x0  }
0x100: {  	[sflag:s15] =	ssyncadd.s32 $0xFFFFF400  }
0x101: {  	_ =	swait.ge [sflag:s15], $0xC00  }
0x102: {  	[sflag:s15] =	ssyncset.done $0x0  }
0x103: {  	[sflag:s15] =	ssyncadd.s32 $0xFFFFF400  }
0x104: {  	_ =	swait.ge [sflag:s15], $0xC00  }
0x105: {  	s31 =	ssub.s32 $0x2, s1;
	[sflag:s15] =	ssyncset.done $0x0  }
0x106: {  	s1 =	sshrl.u32 s31, $0x1;
	[sflag:s15] =	ssyncadd.s32 $0xFFFFF400  }
0x107: {  	s0 =	ssub.s32 s31, s1;
	_ =	swait.ge [sflag:s15], $0xC00  }
0x108: {  	s0 =	smax.u32 s0, $0x1;
	[sflag:s15] =	ssyncset.done $0x0  }
0x109: {  	p0 =	sne.s32 s0, $0x1;
	[sflag:s15] =	ssyncadd.s32 $0xFFFFF400  }
.Ltmp0:
0x10a: {  	_ =	swait.ge [sflag:s15], $0xC00;
	(pc) =	sbr.rel @!p0 .LBB2_3-.Ltmp0, $4  }
0x10b: {  	[sflag:s15] =	ssyncset.done $0x0  }
0x10c: {  	[sflag:s15] =	ssyncadd.s32 $0xFFFFF400  }
0x10d: {  	_ =	swait.ge [sflag:s15], $0xC00  }
0x10e: {  	s8 =	sadd.s32 $0xFFFFFFFF, s0;
	[sflag:s15] =	ssyncset.done $0x0  }
0x10f: {  	s7 =	simm.s32 $0x1388  }
.LBB2_2:
0x110: {  	[sflag:s15] =	ssyncadd.s32 $0xFFFFF400  }
0x111: {  	_ =	swait.ge [sflag:s15], $0xC00  }
0x112: {  	[sflag:s15] =	ssyncset.done $0x0  }
0x113: {  	[sflag:s15] =	ssyncadd.s32 $0xFFFFF400  }
0x114: {  	_ =	swait.ge [sflag:s15], $0xC00  }
0x115: {  	[sflag:s15] =	ssyncset.done $0x0  }
0x116: {  	[sflag:s15] =	ssyncadd.s32 $0xFFFFF400  }
0x117: {  	_ =	swait.ge [sflag:s15], $0xC00  }
0x118: {  	[sflag:s15] =	ssyncset.done $0x0  }
0x119: {  	[sflag:s15] =	ssyncadd.s32 $0xFFFFF400  }
0x11a: {  	_ =	swait.ge [sflag:s15], $0xC00  }
0x11b: {  	[sflag:s15] =	ssyncset.done $0x0  }
0x11c: {  	[sflag:s15] =	ssyncadd.s32 $0xFFFFF400  }
0x11d: {  	_ =	swait.ge [sflag:s15], $0xC00  }
0x11e: {  	[sflag:s15] =	ssyncset.done $0x0  }
0x11f: {  	[sflag:s15] =	ssyncadd.s32 $0xFFFFF400  }
0x120: {  	_ =	swait.ge [sflag:s15], $0xC00  }
0x121: {  	[sflag:s15] =	ssyncset.done $0x0  }
0x122: {  	[sflag:s15] =	ssyncadd.s32 $0xFFFFF400  }
0x123: {  	_ =	swait.ge [sflag:s15], $0xC0  }
0x124: {  	s1 =	simm.s32 $0x0;
	[sflag:s15] =	ssyncset.done $0x0  }
0x125: {  	s2 =	simm.s32 $0x2;
	s0 =	rddreg [dreg:$0x4];
	[sflag:s15] =	ssyncadd.s32 $0xFFFFFF40  }
0x126: {  	[hbm4b:s0+s1] =	stream.linear.scatter [tilespmem:s7], [sflag:$0x2], $0x1D4C0, $0x38;
	[tilespmem:$0x1E848] =	vst v63  }
0x127: {  	_ =	swait.ge [sflag:s2], $0x1D4C0  }
0x128: {  	[sflag:s2] =	ssyncset.done $0x0  }
0x129: {  	s28 =	rddreg [dreg:$0x3];
	[sflag:s2] =	ssyncadd.s32 $0xFFFE2B40  }
0x12a: {  	[tilespmem:s1], [sflag:$0x2] =	stream.linear.gather [hbm4b:s28+s1], $0x1388, $0x38;
	[tilespmem:$0x1E848] =	vst v63  }
0x12b: {  	_ =	swait.ge [sflag:s2], $0x1388  }
0x12c: {  	s29 =	sld [smem:$0x7E2]  }
0x12d: {  	s30 =	sld [smem:$0x7E3]  }
0x12e: {  	s31 =	sld [smem:$0x7E4]  }
0x12f: {  	s9 =	sld [smem:$0x7E5]  }
0x130: {  	s10 =	sld [smem:$0x7E6]  }
0x131: {  	s11 =	sld [smem:$0x7E7]  }
0x132: {  	s12 =	sld [smem:$0x7E8]  }
0x133: {  	s13 =	sld [smem:$0x7E9]  }
0x134: {  	s14 =	sld [smem:$0x7EA]  }
0x135: {  	s16 =	sld [smem:$0x7EB]  }
0x136: {  	s17 =	sld [smem:$0x7EC]  }
0x137: {  	s18 =	sld [smem:$0x7ED]  }
0x138: {  	s19 =	sld [smem:$0x7EE]  }
0x139: {  	s20 =	sld [smem:$0x7EF]  }
0x13a: {  	s21 =	rddreg [dreg:$0x1f]  }
0x13b: {  	s22 =	rddreg [dreg:$0x1d]  }
0x13c: {  	s23 =	rddreg [dreg:$0x1b]  }
0x13d: {  	s24 =	rddreg [dreg:$0x19]  }
0x13e: {  	s25 =	rddreg [dreg:$0x17]  }
0x13f: {  	s26 =	rddreg [dreg:$0x15]  }
0x140: {  	s28 =	rddreg [dreg:$0x13]  }
0x141: {  	s4 =	rddreg [dreg:$0xb]  }
0x142: {  	s3 =	rddreg [dreg:$0x5]  }
0x143: {  	[sflag:s2] =	ssyncset.done $0x0;
	s0 =	rddreg [dreg:$0x7]  }
0x144: {  	[sflag:s2] =	ssyncadd.s32 $0xFFFFEC78;
	s2 =	rddreg [dreg:$0x6]  }
0x145: {  	[tilespmem:s7], [sflag:$0x1] =	stream.indirect.gather [hbm4b:s5+s6], $0x18, s1, s6, $0xb8;
	[tilespmem:$0x1E848] =	vst v63  }
0x146: {  	s1 =	rddreg [dreg:$0x9]  }
0x147: {  	[smem:$0x7E1] =	sst s29  }
0x148: {  	[smem:$0x7E0] =	sst s30  }
0x149: {  	[smem:$0x7DF] =	sst s31  }
0x14a: {  	s29 =	rddreg [dreg:$0x11]  }
0x14b: {  	s30 =	rddreg [dreg:$0xf]  }
0x14c: {  	s31 =	rddreg [dreg:$0xd]  }
0x14d: {  	[tilespmem:s3], [sflag:$0x1] =	stream.indirect.gather [hbm4b:s5+s6], $0x18, s6, s6, $0xb8;
	[tilespmem:$0x1E848] =	vst v63  }
0x14e: {  	s3 =	rddreg [dreg:$0x8]  }
0x14f: {  	[tilespmem:s0], [sflag:$0x1] =	stream.indirect.gather [hbm4b:s5+s6], $0x18, s2, s6, $0xb8;
	[tilespmem:$0x1E848] =	vst v63  }
0x150: {  	s2 =	rddreg [dreg:$0xa]  }
0x151: {  	[tilespmem:s1], [sflag:$0x1] =	stream.indirect.gather [hbm4b:s5+s6], $0x18, s3, s6, $0xb8;
	[tilespmem:$0x1E848] =	vst v63  }
0x152: {  	s3 =	rddreg [dreg:$0xc]  }
0x153: {  	[tilespmem:s4], [sflag:$0x1] =	stream.indirect.gather [hbm4b:s5+s6], $0x18, s2, s6, $0xb8;
	[tilespmem:$0x1E848] =	vst v63  }
0x154: {  	s4 =	rddreg [dreg:$0xe]  }
0x155: {  	s2 =	rddreg [dreg:$0x12]  }
0x156: {  	[tilespmem:s31], [sflag:$0x1] =	stream.indirect.gather [hbm4b:s5+s6], $0x18, s3, s6, $0xb8;
	[tilespmem:$0x1E848] =	vst v63  }
0x157: {  	s31 =	rddreg [dreg:$0x10]  }
0x158: {  	s3 =	rddreg [dreg:$0x14]  }
0x159: {  	[tilespmem:s30], [sflag:$0x1] =	stream.indirect.gather [hbm4b:s5+s6], $0x18, s4, s6, $0xb8;
	[tilespmem:$0x1E848] =	vst v63  }
0x15a: {  	s4 =	rddreg [dreg:$0x16]  }
0x15b: {  	s30 =	rddreg [dreg:$0x1e]  }
0x15c: {  	[tilespmem:s29], [sflag:$0x1] =	stream.indirect.gather [hbm4b:s5+s6], $0x18, s31, s6, $0xb8;
	[tilespmem:$0x1E848] =	vst v63  }
0x15d: {  	s29 =	rddreg [dreg:$0x1c]  }
0x15e: {  	[tilespmem:s28], [sflag:$0x1] =	stream.indirect.gather [hbm4b:s5+s6], $0x18, s2, s6, $0xb8;
	[tilespmem:$0x1E848] =	vst v63  }
0x15f: {  	s31 =	sld [smem:$0x7F0]  }
0x160: {  	[tilespmem:s26], [sflag:$0x1] =	stream.indirect.gather [hbm4b:s5+s6], $0x18, s3, s6, $0xb8;
	[tilespmem:$0x1E848] =	vst v63  }
0x161: {  	s28 =	rddreg [dreg:$0x1a]  }
0x162: {  	[tilespmem:s25], [sflag:$0x1] =	stream.indirect.gather [hbm4b:s5+s6], $0x18, s4, s6, $0xb8;
	[tilespmem:$0x1E848] =	vst v63  }
0x163: {  	s26 =	rddreg [dreg:$0x18]  }
0x164: {  	[tilespmem:s24], [sflag:$0x1] =	stream.indirect.gather [hbm4b:s5+s6], $0x18, s26, s6, $0xb8;
	[tilespmem:$0x1E848] =	vst v63  }
0x165: {  	s2 =	sld [smem:$0x7F1]  }
0x166: {  	[tilespmem:s23], [sflag:$0x1] =	stream.indirect.gather [hbm4b:s5+s6], $0x18, s28, s6, $0xb8;
	[tilespmem:$0x1E848] =	vst v63  }
0x167: {  	s3 =	sld [smem:$0x7F2]  }
0x168: {  	[tilespmem:s22], [sflag:$0x1] =	stream.indirect.gather [hbm4b:s5+s6], $0x18, s29, s6, $0xb8;
	[tilespmem:$0x1E848] =	vst v63  }
0x169: {  	s4 =	sld [smem:$0x7F3]  }
0x16a: {  	[tilespmem:s21], [sflag:$0x1] =	stream.indirect.gather [hbm4b:s5+s6], $0x18, s30, s6, $0xb8;
	[tilespmem:$0x1E848] =	vst v63  }
0x16b: {  	s25 =	sld [smem:$0x7FA]  }
0x16c: {  	[tilespmem:s20], [sflag:$0x1] =	stream.indirect.gather [hbm4b:s5+s6], $0x18, s31, s6, $0xb8;
	[tilespmem:$0x1E848] =	vst v63  }
0x16d: {  	s24 =	sld [smem:$0x7F9]  }
0x16e: {  	[tilespmem:s19], [sflag:$0x1] =	stream.indirect.gather [hbm4b:s5+s6], $0x18, s2, s6, $0xb8;
	[tilespmem:$0x1E848] =	vst v63  }
0x16f: {  	s26 =	sld [smem:$0x7FB]  }
0x170: {  	[tilespmem:s18], [sflag:$0x1] =	stream.indirect.gather [hbm4b:s5+s6], $0x18, s3, s6, $0xb8;
	[tilespmem:$0x1E848] =	vst v63  }
0x171: {  	s19 =	sld [smem:$0x7F4]  }
0x172: {  	[tilespmem:s17], [sflag:$0x1] =	stream.indirect.gather [hbm4b:s5+s6], $0x18, s4, s6, $0xb8;
	[tilespmem:$0x1E848] =	vst v63  }
0x173: {  	s20 =	sld [smem:$0x7F5]  }
0x174: {  	[tilespmem:s16], [sflag:$0x1] =	stream.indirect.gather [hbm4b:s5+s6], $0x18, s19, s6, $0xb8;
	[tilespmem:$0x1E848] =	vst v63  }
0x175: {  	s21 =	sld [smem:$0x7F6]  }
0x176: {  	[tilespmem:s14], [sflag:$0x1] =	stream.indirect.gather [hbm4b:s5+s6], $0x18, s20, s6, $0xb8;
	[tilespmem:$0x1E848] =	vst v63  }
0x177: {  	s22 =	sld [smem:$0x7F7]  }
0x178: {  	[tilespmem:s13], [sflag:$0x1] =	stream.indirect.gather [hbm4b:s5+s6], $0x18, s21, s6, $0xb8;
	[tilespmem:$0x1E848] =	vst v63  }
0x179: {  	s23 =	sld [smem:$0x7F8]  }
0x17a: {  	[tilespmem:s12], [sflag:$0x1] =	stream.indirect.gather [hbm4b:s5+s6], $0x18, s22, s6, $0xb8;
	[tilespmem:$0x1E848] =	vst v63  }
0x17b: {  	s28 =	sld [smem:$0x7FC]  }
0x17c: {  	[tilespmem:s11], [sflag:$0x1] =	stream.indirect.gather [hbm4b:s5+s6], $0x18, s23, s6, $0xb8;
	[tilespmem:$0x1E848] =	vst v63  }
0x17d: {  	s29 =	sld [smem:$0x7DF]  }
0x17e: {  	[tilespmem:s10], [sflag:$0x1] =	stream.indirect.gather [hbm4b:s5+s6], $0x18, s24, s6, $0xb8;
	[tilespmem:$0x1E848] =	vst v63  }
0x17f: {  	s30 =	sld [smem:$0x7FD]  }
0x180: {  	[tilespmem:s9], [sflag:$0x1] =	stream.indirect.gather [hbm4b:s5+s6], $0x18, s25, s6, $0xb8;
	[tilespmem:$0x1E848] =	vst v63  }
0x181: {  	s31 =	sld [smem:$0x7E0]  }
0x182: {  	[tilespmem:s29], [sflag:$0x1] =	stream.indirect.gather [hbm4b:s5+s6], $0x18, s26, s6, $0xb8;
	[tilespmem:$0x1E848] =	vst v63  }
0x183: {  	s2 =	sld [smem:$0x7E1]  }
0x184: {  	[tilespmem:s31], [sflag:$0x1] =	stream.indirect.gather [hbm4b:s5+s6], $0x18, s28, s6, $0xb8;
	[tilespmem:$0x1E848] =	vst v63  }
0x185: {  	_ = 	snop  }
0x186: {  	[tilespmem:s2], [sflag:$0x1] =	stream.indirect.gather [hbm4b:s5+s6], $0x18, s30, s6, $0xb8;
	[tilespmem:$0x1E848] =	vst v63  }
0x187: {  	s3 =	simm.s32 $0xE80;
	s4 =	simm.s32 $0x16F88  }
0x188: {  	[tilespmem:s4], [sflag:$0x1] =	stream.indirect.gather [hbm4b:s5+s6], $0x18, s3, s6, $0xb8;
	[tilespmem:$0x1E848] =	vst v63  }
0x189: {  	s10 =	simm.s32 $0x17B88;
	s9 =	simm.s32 $0xF00  }
0x18a: {  	[tilespmem:s10], [sflag:$0x1] =	stream.indirect.gather [hbm4b:s5+s6], $0x18, s9, s6, $0xb8;
	[tilespmem:$0x1E848] =	vst v63  }
0x18b: {  	s12 =	simm.s32 $0x18788;
	s11 =	simm.s32 $0xF80  }
0x18c: {  	[tilespmem:s12], [sflag:$0x1] =	stream.indirect.gather [hbm4b:s5+s6], $0x18, s11, s6, $0xb8;
	[tilespmem:$0x1E848] =	vst v63  }
0x18d: {  	s14 =	simm.s32 $0x19388;
	s13 =	simm.s32 $0x1000  }
0x18e: {  	[tilespmem:s14], [sflag:$0x1] =	stream.indirect.gather [hbm4b:s5+s6], $0x18, s13, s6, $0xb8;
	[tilespmem:$0x1E848] =	vst v63  }
0x18f: {  	s17 =	simm.s32 $0x19F88;
	s16 =	simm.s32 $0x1080  }
0x190: {  	[tilespmem:s17], [sflag:$0x1] =	stream.indirect.gather [hbm4b:s5+s6], $0x18, s16, s6, $0xb8;
	[tilespmem:$0x1E848] =	vst v63  }
0x191: {  	s18 =	simm.s32 $0x1100;
	s19 =	simm.s32 $0x1AB88  }
0x192: {  	[tilespmem:s19], [sflag:$0x1] =	stream.indirect.gather [hbm4b:s5+s6], $0x18, s18, s6, $0xb8;
	[tilespmem:$0x1E848] =	vst v63  }
0x193: {  	s20 =	simm.s32 $0x1180;
	s21 =	simm.s32 $0x1B788  }
0x194: {  	[tilespmem:s21], [sflag:$0x1] =	stream.indirect.gather [hbm4b:s5+s6], $0x18, s20, s6, $0xb8;
	[tilespmem:$0x1E848] =	vst v63  }
0x195: {  	s22 =	simm.s32 $0x1200;
	s23 =	simm.s32 $0x1C388  }
0x196: {  	[tilespmem:s23], [sflag:$0x1] =	stream.indirect.gather [hbm4b:s5+s6], $0x18, s22, s6, $0xb8;
	[tilespmem:$0x1E848] =	vst v63  }
0x197: {  	s24 =	simm.s32 $0x1280;
	s25 =	simm.s32 $0x1CF88  }
0x198: {  	[tilespmem:s25], [sflag:$0x1] =	stream.indirect.gather [hbm4b:s5+s6], $0x18, s24, s6, $0xb8;
	[tilespmem:$0x1E848] =	vst v63  }
0x199: {  	s26 =	simm.s32 $0x1300;
	s28 =	simm.s32 $0x1DB88  }
0x19a: {  	[tilespmem:s28], [sflag:$0x1] =	stream.indirect.gather [hbm4b:s5+s6], $0x18, s26, s6, $0xb8;
	[tilespmem:$0x1E848] =	vst v63  }
0x19b: {  	s29 =	simm.s32 $0x8;
	s31 =	simm.s32 $0x1E788;
	s30 =	simm.s32 $0x1380  }
0x19c: {  	[tilespmem:s31], [sflag:$0x1] =	stream.indirect.gather [hbm4b:s5+s29], $0x18, s30, s29, $0xb8;
	[tilespmem:$0x1E848] =	vst v63  }
0x19d: {  	_ =	swait.ge [sflag:s15], $0xC00  }
0x19e: {  	[sflag:s15] =	ssyncset.done $0x0  }
0x19f: {  	[sflag:s15] =	ssyncadd.s32 $0xFFFFF400  }
0x1a0: {  	_ =	swait.ge [sflag:s15], $0xC00  }
0x1a1: {  	[sflag:s15] =	ssyncset.done $0x0  }
0x1a2: {  	[sflag:s15] =	ssyncadd.s32 $0xFFFFF400  }
0x1a3: {  	_ =	swait.ge [sflag:s15], $0xC00  }
0x1a4: {  	[sflag:s15] =	ssyncset.done $0x0  }
0x1a5: {  	[sflag:s15] =	ssyncadd.s32 $0xFFFFF400  }
0x1a6: {  	_ =	swait.ge [sflag:s15], $0xC00  }
0x1a7: {  	[sflag:s15] =	ssyncset.done $0x0  }
0x1a8: {  	[sflag:s15] =	ssyncadd.s32 $0xFFFFF400  }
0x1a9: {  	_ =	swait.ge [sflag:s15], $0xC00  }
0x1aa: {  	[sflag:s15] =	ssyncset.done $0x0  }
0x1ab: {  	[sflag:s15] =	ssyncadd.s32 $0xFFFFF400  }
0x1ac: {  	_ =	swait.ge [sflag:s15], $0xC00  }
0x1ad: {  	[sflag:s15] =	ssyncset.done $0x0  }
0x1ae: {  	[sflag:s15] =	ssyncadd.s32 $0xFFFFF400  }
0x1af: {  	_ =	swait.ge [sflag:s15], $0xC00  }
0x1b0: {  	[sflag:s15] =	ssyncset.done $0x0  }
0x1b1: {  	[sflag:s15] =	ssyncadd.s32 $0xFFFFF400  }
0x1b2: {  	_ =	swait.ge [sflag:s15], $0xC00  }
0x1b3: {  	[sflag:s15] =	ssyncset.done $0x0  }
0x1b4: {  	[sflag:s15] =	ssyncadd.s32 $0xFFFFF400  }
0x1b5: {  	_ =	swait.ge [sflag:s15], $0xC00  }
0x1b6: {  	[sflag:s15] =	ssyncset.done $0x0  }
0x1b7: {  	[sflag:s15] =	ssyncadd.s32 $0xFFFFF400  }
0x1b8: {  	_ =	swait.ge [sflag:s15], $0xC00  }
0x1b9: {  	[sflag:s15] =	ssyncset.done $0x0  }
0x1ba: {  	[sflag:s15] =	ssyncadd.s32 $0xFFFFF400  }
0x1bb: {  	_ =	swait.ge [sflag:s15], $0xC00  }
0x1bc: {  	[sflag:s15] =	ssyncset.done $0x0  }
0x1bd: {  	[sflag:s15] =	ssyncadd.s32 $0xFFFFF400  }
0x1be: {  	_ =	swait.ge [sflag:s15], $0xC00  }
0x1bf: {  	[sflag:s15] =	ssyncset.done $0x0  }
0x1c0: {  	[sflag:s15] =	ssyncadd.s32 $0xFFFFF400  }
0x1c1: {  	_ =	swait.ge [sflag:s15], $0xC00  }
0x1c2: {  	[sflag:s15] =	ssyncset.done $0x0  }
0x1c3: {  	[sflag:s15] =	ssyncadd.s32 $0xFFFFF400  }
0x1c4: {  	_ =	swait.ge [sflag:s15], $0xC00  }
0x1c5: {  	[sflag:s15] =	ssyncset.done $0x0  }
0x1c6: {  	[sflag:s15] =	ssyncadd.s32 $0xFFFFF400  }
0x1c7: {  	_ =	swait.ge [sflag:s15], $0xC00  }
0x1c8: {  	[sflag:s15] =	ssyncset.done $0x0  }
0x1c9: {  	[sflag:s15] =	ssyncadd.s32 $0xFFFFF400  }
0x1ca: {  	_ =	swait.ge [sflag:s15], $0xC00  }
0x1cb: {  	[sflag:s15] =	ssyncset.done $0x0  }
0x1cc: {  	[sflag:s15] =	ssyncadd.s32 $0xFFFFF400  }
0x1cd: {  	_ =	swait.ge [sflag:s15], $0xC00  }
0x1ce: {  	[sflag:s15] =	ssyncset.done $0x0  }
0x1cf: {  	[sflag:s15] =	ssyncadd.s32 $0xFFFFF400  }
0x1d0: {  	_ =	swait.ge [sflag:s15], $0xC00  }
0x1d1: {  	[sflag:s15] =	ssyncset.done $0x0  }
0x1d2: {  	[sflag:s15] =	ssyncadd.s32 $0xFFFFF400  }
0x1d3: {  	_ =	swait.ge [sflag:s15], $0xC00  }
0x1d4: {  	[sflag:s15] =	ssyncset.done $0x0  }
0x1d5: {  	[sflag:s15] =	ssyncadd.s32 $0xFFFFF400  }
0x1d6: {  	_ =	swait.ge [sflag:s15], $0xC00  }
0x1d7: {  	[sflag:s15] =	ssyncset.done $0x0  }
0x1d8: {  	[sflag:s15] =	ssyncadd.s32 $0xFFFFF400  }
0x1d9: {  	_ =	swait.ge [sflag:s15], $0xC00  }
0x1da: {  	[sflag:s15] =	ssyncset.done $0x0  }
0x1db: {  	[sflag:s15] =	ssyncadd.s32 $0xFFFFF400  }
0x1dc: {  	_ =	swait.ge [sflag:s15], $0xC00  }
0x1dd: {  	[sflag:s15] =	ssyncset.done $0x0  }
0x1de: {  	[sflag:s15] =	ssyncadd.s32 $0xFFFFF400  }
0x1df: {  	_ =	swait.ge [sflag:s15], $0xC00  }
0x1e0: {  	[sflag:s15] =	ssyncset.done $0x0  }
0x1e1: {  	[sflag:s15] =	ssyncadd.s32 $0xFFFFF400  }
0x1e2: {  	_ =	swait.ge [sflag:s15], $0xC00  }
0x1e3: {  	[sflag:s15] =	ssyncset.done $0x0  }
0x1e4: {  	[sflag:s15] =	ssyncadd.s32 $0xFFFFF400  }
0x1e5: {  	_ =	swait.ge [sflag:s15], $0xC00  }
0x1e6: {  	[sflag:s15] =	ssyncset.done $0x0  }
0x1e7: {  	[sflag:s15] =	ssyncadd.s32 $0xFFFFF400  }
0x1e8: {  	_ =	swait.ge [sflag:s15], $0xC00  }
0x1e9: {  	[sflag:s15] =	ssyncset.done $0x0  }
0x1ea: {  	[sflag:s15] =	ssyncadd.s32 $0xFFFFF400  }
0x1eb: {  	_ =	swait.ge [sflag:s15], $0xC00  }
0x1ec: {  	[sflag:s15] =	ssyncset.done $0x0  }
0x1ed: {  	[sflag:s15] =	ssyncadd.s32 $0xFFFFF400  }
0x1ee: {  	_ =	swait.ge [sflag:s15], $0xC00  }
0x1ef: {  	[sflag:s15] =	ssyncset.done $0x0  }
0x1f0: {  	[sflag:s15] =	ssyncadd.s32 $0xFFFFF400  }
0x1f1: {  	_ =	swait.ge [sflag:s15], $0xC00  }
0x1f2: {  	[sflag:s15] =	ssyncset.done $0x0  }
0x1f3: {  	[sflag:s15] =	ssyncadd.s32 $0xFFFFF400  }
0x1f4: {  	_ =	swait.ge [sflag:s15], $0xC00  }
0x1f5: {  	[sflag:s15] =	ssyncset.done $0x0  }
0x1f6: {  	[sflag:s15] =	ssyncadd.s32 $0xFFFFF400  }
0x1f7: {  	_ =	swait.ge [sflag:s15], $0xC00  }
0x1f8: {  	[sflag:s15] =	ssyncset.done $0x0  }
0x1f9: {  	p0 =	sne.s32 s8, $0x1;
	[sflag:s15] =	ssyncadd.s32 $0xFFFFF400  }
.Ltmp1:
0x1fa: {  	_ =	swait.ge [sflag:s15], $0xC00;
	(pc) =	sbr.rel @p0 .LBB2_2-.Ltmp1, $4  }
0x1fb: {  	[sflag:s15] =	ssyncset.done $0x0  }
0x1fc: {  	[sflag:s15] =	ssyncadd.s32 $0xFFFFF400  }
0x1fd: {  	_ =	swait.ge [sflag:s15], $0xC00  }
0x1fe: {  	s8 =	sadd.s32 $0xFFFFFFFF, s8;
	[sflag:s15] =	ssyncset.done $0x0  }
.LBB2_3:
0x1ff: {  	[sflag:s15] =	ssyncadd.s32 $0xFFFFF400  }
0x200: {  	_ =	swait.ge [sflag:s15], $0xC00  }
0x201: {  	[sflag:s15] =	ssyncset.done $0x0  }
0x202: {  	[sflag:s15] =	ssyncadd.s32 $0xFFFFF400  }
0x203: {  	_ =	swait.ge [sflag:s15], $0xC00  }
0x204: {  	[sflag:s15] =	ssyncset.done $0x0  }
0x205: {  	[sflag:s15] =	ssyncadd.s32 $0xFFFFF400  }
0x206: {  	_ =	swait.ge [sflag:s15], $0xC00  }
0x207: {  	[sflag:s15] =	ssyncset.done $0x0  }
0x208: {  	[sflag:s15] =	ssyncadd.s32 $0xFFFFF400  }
0x209: {  	_ =	swait.ge [sflag:s15], $0xC00  }
0x20a: {  	[sflag:s15] =	ssyncset.done $0x0  }
0x20b: {  	[sflag:s15] =	ssyncadd.s32 $0xFFFFF400  }
0x20c: {  	_ =	swait.ge [sflag:s15], $0xC00  }
0x20d: {  	[sflag:s15] =	ssyncset.done $0x0  }
0x20e: {  	[sflag:s15] =	ssyncadd.s32 $0xFFFFF400  }
0x20f: {  	_ =	swait.ge [sflag:s15], $0xC00  }
0x210: {  	[sflag:s15] =	ssyncset.done $0x0  }
0x211: {  	[sflag:s15] =	ssyncadd.s32 $0xFFFFF400  }
0x212: {  	_ =	swait.ge [sflag:s15], $0xC0  }
0x213: {  	s1 =	simm.s32 $0x0;
	s2 =	simm.s32 $0x1388;
	[sflag:s15] =	ssyncset.done $0x0  }
0x214: {  	s30 =	simm.s32 $0x2;
	s0 =	rddreg [dreg:$0x4];
	[sflag:s15] =	ssyncadd.s32 $0xFFFFFF40  }
0x215: {  	[hbm4b:s0+s1] =	stream.linear.scatter [tilespmem:s2], [sflag:$0x2], $0x1D4C0, $0x38;
	[tilespmem:$0x1E848] =	vst v63  }
0x216: {  	_ =	swait.ge [sflag:s30], $0x1D4C0  }
0x217: {  	[sflag:s30] =	ssyncset.done $0x0  }
0x218: {  	[sflag:s30] =	ssyncadd.s32 $0xFFFE2B40  }
0x219: {  	_ =	sfence.sel $0x180000  }
0x21a: {  	[bflag:$0x0] =	sbarrier.arrive $0xFFFF  }
0x21b: {  	_ =	strace $0x90000047  }
0x21c: {  	s31 =	stileid.u32;
	[bflag:$0x2] =	sbarrier.arrive $0xFFFF  }
0x21d: {  	p0 =	sne.s32 s31, $0x0;
	s0 =	rddreg [dreg:$0x2]  }
0x21e: {  	s0 =	sadd.s32 @!p0 $0x100000, s0  }
0x21f: {  	[sflag:s0] =	ssyncadd.tile.s32 @!p0 $0x1;
	_ =	shalt  }
.Lfunc_end2:
_tile_overlayer_lowered:
.L_overlay_start_2:
0x220: {  	(tag) =	ssettag $0x2  }
0x221: {  	s0 =	rddreg [dreg:$0x0];
	s2 =	stileid.u32  }
0x222: {  	s1 =	rddreg [dreg:$0x1];
	p0 =	sne.s32 s2, $0x0  }
0x223: {  	s3 =	rddreg [dreg:$0x2];
	[bflag:$0x3] =	sbarrier.arrive $0xFFFF;
	s2 =	simm.s32 @!p0 $0x1C02  }
0x224: {  	[timem:s3], [sflag:s2] =	dma.local @!p0 [hbm:s0], s1  }
0x225: {  	s0 =	simm.s32 @!p0 $0x2  }
0x226: {  	_ =	swait.ge @!p0 [sflag:s0], s1  }
0x227: {  	s1 =	ssub.s32 @!p0 $0x0, s1;
	[sflag:s0] =	ssyncset.done @!p0 $0x0  }
0x228: {  	[sflag:s0] =	ssyncadd.s32 @!p0 s1  }
0x229: {  	[bflag:$0x3] =	sbarrier.arrive $0xFFFF  }
0x22a: {  	_ =	shalt  }

</sc_bundles>
